<compile_context>
chip_gen: v7x
topology: tpu7x:2x2x1
jax: 0.10.2.dev20260603
libtpu: 0.0.44.dev20260713+nightly
codegen_flags: <defaults>
</compile_context>

<pallas_src>
import functools

import jax
import jax.numpy as jnp
from jax import lax
from jax.experimental import pallas as pl
from jax.experimental.pallas import tpu as pltpu
from jax.experimental.pallas import tpu_sc as plsc

_SC_PARAMS = None

NC = 1
NS = 16
NW = NC * NS
CHUNK = 128
BM = 512

f32 = jnp.float32
i32 = jnp.int32

_SC_PARAMS = pltpu.CompilerParams(use_tc_tiling_on_sc=False)


def _wid_base(epw):
  cid = lax.axis_index("c")
  sid = lax.axis_index("s")
  wid = cid * NS + sid
  return cid, sid, wid, wid * epw


def _make_deg_kernel(NP, nch, GW):
  mesh = plsc.VectorSubcoreMesh(core_axis_name="c", subcore_axis_name="s", num_cores=NC)
  rows_ps = NP // NS
  ZR = 128
  nz = rows_ps // ZR

  @functools.partial(
      pl.kernel,
      out_type=jax.ShapeDtypeStruct((NC, NP, GW), f32),
      mesh=mesh,
      compiler_params=_SC_PARAMS,
      scratch_types=[
          pltpu.VMEM((nch, CHUNK), i32),
          pltpu.VMEM((CHUNK, GW), f32),
          pltpu.VMEM_SHARED((NP, GW), f32),
      ],
  )
  def deg_kernel(col_hbm, ones_hbm, out_hbm, col_v, ones_v, acc):
    cid, sid, wid, _ = _wid_base(0)
    pltpu.sync_copy(col_hbm.at[wid], col_v)
    pltpu.sync_copy(ones_hbm.at[pl.ds(0, CHUNK)], ones_v)
    r0 = sid * rows_ps

    @pl.loop(0, nz)
    def _(z):
      pltpu.sync_copy(ones_hbm.at[pl.ds(CHUNK, ZR)],
                      acc.at[pl.ds(r0 + z * ZR, ZR)])

    plsc.subcore_barrier()

    @pl.loop(0, nch)
    def _(j):
      pltpu.sync_copy(ones_v, acc.at[col_v.at[j]], add=True)

    plsc.subcore_barrier()
    pltpu.sync_copy(acc.at[pl.ds(r0, rows_ps)],
                    out_hbm.at[cid, pl.ds(r0, rows_ps)])

  return deg_kernel


def _make_agg_kernel(NP, nch, D):
  mesh = plsc.VectorSubcoreMesh(core_axis_name="c", subcore_axis_name="s", num_cores=NC)
  rows_ps = NP // NS
  ZR = 128
  nz = rows_ps // ZR

  @functools.partial(
      pl.kernel,
      out_type=jax.ShapeDtypeStruct((NC, NP, D), f32),
      mesh=mesh,
      compiler_params=_SC_PARAMS,
      scratch_types=[
          pltpu.VMEM((nch, CHUNK), i32),
          pltpu.VMEM((nch, CHUNK), i32),
          [pltpu.VMEM((CHUNK, D), f32) for _ in range(4)],
          pltpu.VMEM_SHARED((NP, D), f32),
          [pltpu.SemaphoreType.DMA for _ in range(4)],
      ],
  )
  def agg_kernel(g_hbm, row_hbm, col_hbm, zero_hbm, out_hbm,
                 row_v, col_v, bufs, acc, sems):
    cid, sid, wid, _ = _wid_base(0)
    pltpu.sync_copy(row_hbm.at[wid], row_v)
    pltpu.sync_copy(col_hbm.at[wid], col_v)
    r0 = sid * rows_ps

    @pl.loop(0, nz)
    def _(z):
      pltpu.sync_copy(zero_hbm, acc.at[pl.ds(r0 + z * ZR, ZR)])

    plsc.subcore_barrier()

    for k in range(4):
      pltpu.async_copy(g_hbm.at[row_v.at[k]], bufs[k], sems[k])

    @pl.loop(0, nch, step=4)
    def _(j):
      for k in range(4):
        pltpu.make_async_copy(g_hbm.at[row_v.at[j + k]], bufs[k],
                              sems[k]).wait()
        pltpu.sync_copy(bufs[k], acc.at[col_v.at[j + k]], add=True)

        @pl.when(j + k + 4 < nch)
        def _():
          pltpu.async_copy(g_hbm.at[row_v.at[j + k + 4]], bufs[k], sems[k])

    plsc.subcore_barrier()
    pltpu.sync_copy(acc.at[pl.ds(r0, rows_ps)],
                    out_hbm.at[cid, pl.ds(r0, rows_ps)])

  return agg_kernel


def _dinv_from(degp_ref):
  deg = jnp.sum(degp_ref[:, :, 0], axis=0)
  return jnp.where(deg > 0.0, lax.rsqrt(jnp.maximum(deg, 1e-30)), 0.0)


def _matmul_body(x_ref, w_ref, o_ref):
  o_ref[...] = jnp.dot(x_ref[...], w_ref[...], preferred_element_type=f32)


def _scale_body(degp_ref, h_ref, o_ref):
  dinv = _dinv_from(degp_ref[...])
  o_ref[...] = dinv[:, None] * h_ref[...]


def _mid_body(u1p_ref, degp_ref, b1_ref, w2_ref, o_ref):
  dinv = _dinv_from(degp_ref[...])
  u1 = jnp.sum(u1p_ref[...], axis=0)
  out1 = dinv[:, None] * u1 + b1_ref[...]
  r = jnp.maximum(out1, 0.0)
  h2 = jnp.dot(r, w2_ref[...], preferred_element_type=f32)
  o_ref[...] = dinv[:, None] * h2


def _final_body(u2p_ref, degp_ref, b2_ref, o_ref):
  dinv = _dinv_from(degp_ref[...])
  u2 = jnp.sum(u2p_ref[...], axis=0)[:, :40]
  z = dinv[:, None] * u2 + b2_ref[...]
  m = jnp.max(z, axis=-1, keepdims=True)
  e = jnp.exp(z - m)
  o_ref[...] = (z - m) - jnp.log(jnp.sum(e, axis=-1, keepdims=True))


def kernel(x, edge_index, W1, b1, W2, b2):
  N, IN_CH = x.shape
  E = edge_index.shape[1]
  HID = W1.shape[1]
  OUT = W2.shape[1]
  D2 = 48

  epw = -(-E // NW)
  epw = -(-epw // (4 * CHUNK)) * (4 * CHUNK)
  nch = epw // CHUNK
  EP = NW * epw
  NP = -(-N // (NS * 128)) * (NS * 128)

  ei = edge_index.astype(i32)
  pad = jnp.full((2, EP - E), NP - 1, dtype=i32)
  eip = jnp.concatenate([ei, pad], axis=1)
  row_r = eip[0].reshape(NW, nch, CHUNK)
  col_r = eip[1].reshape(NW, nch, CHUNK)

  xp = jnp.pad(x, ((0, NP - N), (0, 0)))
  W2p = jnp.pad(W2, ((0, 0), (0, D2 - OUT)))
  ones16 = jnp.concatenate(
      [jnp.ones((CHUNK, 16), f32), jnp.zeros((CHUNK, 16), f32)], axis=0)
  zero64 = jnp.zeros((128, HID), f32)
  zero48 = jnp.zeros((128, D2), f32)

  deg_k = _make_deg_kernel(NP, nch, 16)
  agg1_k = _make_agg_kernel(NP, nch, HID)
  agg2_k = _make_agg_kernel(NP, nch, D2)

  grid = (NP // BM,)
  deg_spec = pl.BlockSpec((NC, BM, 16), lambda i: (0, i, 0))

  h1 = pl.pallas_call(
      _matmul_body,
      grid=grid,
      in_specs=[pl.BlockSpec((BM, IN_CH), lambda i: (i, 0)),
                pl.BlockSpec((IN_CH, HID), lambda i: (0, 0))],
      out_specs=pl.BlockSpec((BM, HID), lambda i: (i, 0)),
      out_shape=jax.ShapeDtypeStruct((NP, HID), f32),
  )(xp, W1)

  degp = deg_k(col_r, ones16)

  g1 = pl.pallas_call(
      _scale_body,
      grid=grid,
      in_specs=[deg_spec, pl.BlockSpec((BM, HID), lambda i: (i, 0))],
      out_specs=pl.BlockSpec((BM, HID), lambda i: (i, 0)),
      out_shape=jax.ShapeDtypeStruct((NP, HID), f32),
  )(degp, h1)

  u1p = agg1_k(g1, row_r, col_r, zero64)

  g2 = pl.pallas_call(
      _mid_body,
      grid=grid,
      in_specs=[pl.BlockSpec((NC, BM, HID), lambda i: (0, i, 0)),
                deg_spec,
                pl.BlockSpec((1, HID), lambda i: (0, 0)),
                pl.BlockSpec((HID, D2), lambda i: (0, 0))],
      out_specs=pl.BlockSpec((BM, D2), lambda i: (i, 0)),
      out_shape=jax.ShapeDtypeStruct((NP, D2), f32),
  )(u1p, degp, b1.reshape(1, HID), W2p)

  u2p = agg2_k(g2, row_r, col_r, zero48)

  out = pl.pallas_call(
      _final_body,
      grid=grid,
      in_specs=[pl.BlockSpec((NC, BM, D2), lambda i: (0, i, 0)),
                deg_spec,
                pl.BlockSpec((1, OUT), lambda i: (0, 0))],
      out_specs=pl.BlockSpec((BM, OUT), lambda i: (i, 0)),
      out_shape=jax.ShapeDtypeStruct((NP, OUT), f32),
  )(u2p, degp, b2.reshape(1, OUT))

  return out[:N]

# --- scband reference (transcript-rebuilt; emitter-appended) ---
"""Pipeline reference for scband-gcn-71751723647375 (READ-ONLY COPY).

The authoritative reference and input builder live on the scoring server;
editing this copy changes nothing except your own understanding.
"""

import jax, jax.numpy as jnp
import numpy as np

N_NODES = 10000
N_EDGES = 320000
IN_CH = 128
HID = 64
OUT_CH = 40


def _gcn_conv(x, edge_index, W, b):
    # PyG GCNConv with add_self_loops=False
    row = edge_index[0]
    col = edge_index[1]
    n = x.shape[0]
    h = x @ W
    ones = jnp.ones((edge_index.shape[1],), dtype=h.dtype)
    deg = jnp.zeros((n,), dtype=h.dtype).at[col].add(ones)
    deg_inv_sqrt = jnp.where(deg > 0, deg ** -0.5, 0.0)
    norm = deg_inv_sqrt[row] * deg_inv_sqrt[col]
    msg = h[row] * norm[:, None]
    out = jnp.zeros_like(h).at[col].add(msg)
    return out + b


def setup_inputs(seed: int = 0) -> dict:
    key = jax.random.key(seed)
    k1, k2, k3, k4, k5, k6 = jax.random.split(key, 6)
    x = jax.random.normal(k1, (N_NODES, IN_CH), dtype=jnp.float32)
    edge_index = jax.random.randint(k2, (2, N_EDGES), 0, N_NODES, dtype=jnp.int64)
    W1 = jax.random.normal(k3, (IN_CH, HID), dtype=jnp.float32) * (1.0 / np.sqrt(IN_CH))
    b1 = jnp.zeros((HID,), dtype=jnp.float32)
    W2 = jax.random.normal(k4, (HID, OUT_CH), dtype=jnp.float32) * (1.0 / np.sqrt(HID))
    b2 = jnp.zeros((OUT_CH,), dtype=jnp.float32)
    return {"x": x, "edge_index": edge_index, "W1": W1, "b1": b1, "W2": W2, "b2": b2}


def reference(x, edge_index, W1, b1, W2, b2):
    # eval mode: dropout is identity, no loss branch
    h = _gcn_conv(x, edge_index, W1, b1)
    h = jax.nn.relu(h)
    h = _gcn_conv(h, edge_index, W2, b2)
    return jax.nn.log_softmax(h, axis=-1)

if __name__ == "__main__":
    import jax
    _d = setup_inputs()
    print(jax.jit(kernel)(*tuple(_d.values())))

</pallas_src>

<mosaic_0001>
#map = affine_map<(d0, d1) -> (0, 0)>
#map1 = affine_map<(d0, d1) -> (0, 0, 0)>
module attributes {stable_mosaic.version = 14 : i64} {
  func.func @agg_kernel(%arg0: i32, %arg1: i32, %arg2: memref<10240x48xf32, #tpu.memory_space<hbm>>, %arg3: memref<16x160x128xi32, #tpu.memory_space<hbm>>, %arg4: memref<16x160x128xi32, #tpu.memory_space<hbm>>, %arg5: memref<128x48xf32, #tpu.memory_space<hbm>>, %arg6: memref<1x10240x48xf32, #tpu.memory_space<hbm>>, %arg7: memref<160x128xi32, #tpu.memory_space<vmem>>, %arg8: memref<160x128xi32, #tpu.memory_space<vmem>>, %arg9: memref<128x48xf32, #tpu.memory_space<vmem>>, %arg10: memref<128x48xf32, #tpu.memory_space<vmem>>, %arg11: memref<128x48xf32, #tpu.memory_space<vmem>>, %arg12: memref<128x48xf32, #tpu.memory_space<vmem>>, %arg13: memref<10240x48xf32, #tpu.memory_space<vmem_shared>>, %arg14: memref<!tpu.dma_semaphore, #tpu.memory_space<semaphore_mem>>, %arg15: memref<!tpu.dma_semaphore, #tpu.memory_space<semaphore_mem>>, %arg16: memref<!tpu.dma_semaphore, #tpu.memory_space<semaphore_mem>>, %arg17: memref<!tpu.dma_semaphore, #tpu.memory_space<semaphore_mem>>) attributes {dimension_semantics = [#tpu.dimension_semantics<core_parallel>, #tpu.dimension_semantics<subcore_parallel>], iteration_bounds = array<i64: 1, 16>, scalar_prefetch = 0 : i64, scratch_operands = 11 : i64, tpu.core_type = #tpu.core_type<sc_vector_subcore>, window_params = [{transform_indices = #map}, {transform_indices = #map1}, {transform_indices = #map1}, {transform_indices = #map}, {transform_indices = #map1}]} {
    %mul3A = arith.constant 16 : i32
    %mul3A_0 = arith.muli %arg0, %mul3A : i32
    %add3A = arith.addi %mul3A_0, %arg1 : i32
    %mul3A_1 = arith.constant 0 : i32
    %mul3A_2 = arith.muli %add3A, %mul3A_1 : i32
    "tpu.region"() ({
      %run_scoped3A = tpu.sem_alloc : memref<!tpu.dma_semaphore, #tpu.memory_space<semaphore_mem>>
      %dma_start3A_42 = arith.constant 0 : i32
      %dma_start3A_43 = arith.constant 0 : i32
      %dma_start3A_44 = tpu.memref_slice %arg3[%add3A, %dma_start3A_42, %dma_start3A_43] : memref<16x160x128xi32, #tpu.memory_space<hbm>> -> memref<1x160x128xi32, #tpu.memory_space<hbm>>
      %dma_start3A_45 = tpu.memref_squeeze %dma_start3A_44 : memref<1x160x128xi32, #tpu.memory_space<hbm>> -> memref<160x128xi32, #tpu.memory_space<hbm>>
      %dma_start3A_46 = arith.constant 0 : i32
      %dma_start3A_47 = arith.constant 0 : i32
      %dma_start3A_48 = tpu.memref_slice %arg3[%add3A, %dma_start3A_46, %dma_start3A_47] : memref<16x160x128xi32, #tpu.memory_space<hbm>> -> memref<1x160x128xi32, #tpu.memory_space<hbm>>
      %dma_start3A_49 = tpu.memref_squeeze %dma_start3A_48 : memref<1x160x128xi32, #tpu.memory_space<hbm>> -> memref<160x128xi32, #tpu.memory_space<hbm>>
      tpu.enqueue_dma source(%dma_start3A_49 : memref<160x128xi32, #tpu.memory_space<hbm>>) target(%arg7 : memref<160x128xi32, #tpu.memory_space<vmem>>) target_semaphore(%run_scoped3A : memref<!tpu.dma_semaphore, #tpu.memory_space<semaphore_mem>>)
      %dma_wait3A = arith.constant 0 : i32
      %dma_wait3A_50 = arith.constant 0 : i32
      %dma_wait3A_51 = tpu.memref_slice %arg3[%add3A, %dma_wait3A, %dma_wait3A_50] : memref<16x160x128xi32, #tpu.memory_space<hbm>> -> memref<1x160x128xi32, #tpu.memory_space<hbm>>
      %dma_wait3A_52 = tpu.memref_squeeze %dma_wait3A_51 : memref<1x160x128xi32, #tpu.memory_space<hbm>> -> memref<160x128xi32, #tpu.memory_space<hbm>>
      %dma_wait3A_53 = arith.constant 0 : i32
      %dma_wait3A_54 = arith.constant 0 : i32
      %dma_wait3A_55 = tpu.memref_slice %arg3[%add3A, %dma_wait3A_53, %dma_wait3A_54] : memref<16x160x128xi32, #tpu.memory_space<hbm>> -> memref<1x160x128xi32, #tpu.memory_space<hbm>>
      %dma_wait3A_56 = tpu.memref_squeeze %dma_wait3A_55 : memref<1x160x128xi32, #tpu.memory_space<hbm>> -> memref<160x128xi32, #tpu.memory_space<hbm>>
      tpu.wait_dma2 semaphore(%run_scoped3A : memref<!tpu.dma_semaphore, #tpu.memory_space<semaphore_mem>>) src(%dma_wait3A_56 : memref<160x128xi32, #tpu.memory_space<hbm>>) dst(%arg7 : memref<160x128xi32, #tpu.memory_space<vmem>>)
      tpu.yield
    }) : () -> ()
    "tpu.region"() ({
      %run_scoped3A = tpu.sem_alloc : memref<!tpu.dma_semaphore, #tpu.memory_space<semaphore_mem>>
      %dma_start3A_42 = arith.constant 0 : i32
      %dma_start3A_43 = arith.constant 0 : i32
      %dma_start3A_44 = tpu.memref_slice %arg4[%add3A, %dma_start3A_42, %dma_start3A_43] : memref<16x160x128xi32, #tpu.memory_space<hbm>> -> memref<1x160x128xi32, #tpu.memory_space<hbm>>
      %dma_start3A_45 = tpu.memref_squeeze %dma_start3A_44 : memref<1x160x128xi32, #tpu.memory_space<hbm>> -> memref<160x128xi32, #tpu.memory_space<hbm>>
      %dma_start3A_46 = arith.constant 0 : i32
      %dma_start3A_47 = arith.constant 0 : i32
      %dma_start3A_48 = tpu.memref_slice %arg4[%add3A, %dma_start3A_46, %dma_start3A_47] : memref<16x160x128xi32, #tpu.memory_space<hbm>> -> memref<1x160x128xi32, #tpu.memory_space<hbm>>
      %dma_start3A_49 = tpu.memref_squeeze %dma_start3A_48 : memref<1x160x128xi32, #tpu.memory_space<hbm>> -> memref<160x128xi32, #tpu.memory_space<hbm>>
      tpu.enqueue_dma source(%dma_start3A_49 : memref<160x128xi32, #tpu.memory_space<hbm>>) target(%arg8 : memref<160x128xi32, #tpu.memory_space<vmem>>) target_semaphore(%run_scoped3A : memref<!tpu.dma_semaphore, #tpu.memory_space<semaphore_mem>>)
      %dma_wait3A = arith.constant 0 : i32
      %dma_wait3A_50 = arith.constant 0 : i32
      %dma_wait3A_51 = tpu.memref_slice %arg4[%add3A, %dma_wait3A, %dma_wait3A_50] : memref<16x160x128xi32, #tpu.memory_space<hbm>> -> memref<1x160x128xi32, #tpu.memory_space<hbm>>
      %dma_wait3A_52 = tpu.memref_squeeze %dma_wait3A_51 : memref<1x160x128xi32, #tpu.memory_space<hbm>> -> memref<160x128xi32, #tpu.memory_space<hbm>>
      %dma_wait3A_53 = arith.constant 0 : i32
      %dma_wait3A_54 = arith.constant 0 : i32
      %dma_wait3A_55 = tpu.memref_slice %arg4[%add3A, %dma_wait3A_53, %dma_wait3A_54] : memref<16x160x128xi32, #tpu.memory_space<hbm>> -> memref<1x160x128xi32, #tpu.memory_space<hbm>>
      %dma_wait3A_56 = tpu.memref_squeeze %dma_wait3A_55 : memref<1x160x128xi32, #tpu.memory_space<hbm>> -> memref<160x128xi32, #tpu.memory_space<hbm>>
      tpu.wait_dma2 semaphore(%run_scoped3A : memref<!tpu.dma_semaphore, #tpu.memory_space<semaphore_mem>>) src(%dma_wait3A_56 : memref<160x128xi32, #tpu.memory_space<hbm>>) dst(%arg8 : memref<160x128xi32, #tpu.memory_space<vmem>>)
      tpu.yield
    }) : () -> ()
    %mul3A_3 = arith.constant 640 : i32
    %mul3A_4 = arith.muli %arg1, %mul3A_3 : i32
    %scan3A = arith.constant 0 : i32
    %scan3A_5 = arith.constant 5 : i32
    %scan3A_6 = arith.addi %scan3A, %scan3A_5 : i32
    %scan3A_7 = arith.constant 1 : i32
    scf.for %scan3A_42 = %scan3A to %scan3A_6 step %scan3A_7  : i32 {
      %mul3A_43 = arith.constant 1 : i32
      %mul3A_44 = arith.muli %scan3A_42, %mul3A_43 : i32
      %add3A_45 = arith.constant 0 : i32
      %add3A_46 = arith.addi %add3A_45, %mul3A_44 : i32
      %mul3A_47 = arith.constant 128 : i32
      %mul3A_48 = arith.muli %add3A_46, %mul3A_47 : i32
      %add3A_49 = arith.addi %mul3A_4, %mul3A_48 : i32
      "tpu.region"() ({
        %run_scoped3A = tpu.sem_alloc : memref<!tpu.dma_semaphore, #tpu.memory_space<semaphore_mem>>
        %dma_start3A_50 = arith.constant 0 : i32
        %dma_start3A_51 = tpu.memref_slice %arg13[%add3A_49, %dma_start3A_50] : memref<10240x48xf32, #tpu.memory_space<vmem_shared>> -> memref<128x48xf32, #tpu.memory_space<vmem_shared>>
        tpu.enqueue_dma source(%arg5 : memref<128x48xf32, #tpu.memory_space<hbm>>) target(%dma_start3A_51 : memref<128x48xf32, #tpu.memory_space<vmem_shared>>) target_semaphore(%run_scoped3A : memref<!tpu.dma_semaphore, #tpu.memory_space<semaphore_mem>>)
        %dma_wait3A = arith.constant 0 : i32
        %dma_wait3A_52 = tpu.memref_slice %arg13[%add3A_49, %dma_wait3A] : memref<10240x48xf32, #tpu.memory_space<vmem_shared>> -> memref<128x48xf32, #tpu.memory_space<vmem_shared>>
        tpu.wait_dma2 semaphore(%run_scoped3A : memref<!tpu.dma_semaphore, #tpu.memory_space<semaphore_mem>>) src(%arg5 : memref<128x48xf32, #tpu.memory_space<hbm>>) dst(%dma_wait3A_52 : memref<128x48xf32, #tpu.memory_space<vmem_shared>>)
        tpu.yield
      }) : () -> ()
    }
    %scan3A_8 = arith.constant 5 : i32
    %barrier3A = arith.constant 0 : index
    tpu.barrier barrier_id(%barrier3A)
    %dma_start3A = arith.constant 0 : i32
    %dma_start3A_9 = arith.constant 0 : i32
    %dma_start3A_10 = tpu.memref_slice %arg7[%dma_start3A, %dma_start3A_9] : memref<160x128xi32, #tpu.memory_space<vmem>> -> memref<1x128xi32, #tpu.memory_space<vmem>>
    %dma_start3A_11 = tpu.memref_squeeze %dma_start3A_10 : memref<1x128xi32, #tpu.memory_space<vmem>> -> memref<128xi32, #tpu.memory_space<vmem>>
    %dma_start3A_12 = arith.constant 0 : i32
    %dma_start3A_13 = arith.constant 0 : i32
    %dma_start3A_14 = tpu.memref_slice %arg2[%dma_start3A_12, %dma_start3A_13] : memref<10240x48xf32, #tpu.memory_space<hbm>> -> memref<10240x48xf32, #tpu.memory_space<hbm>>
    tpu.enqueue_indirect_dma source(%dma_start3A_14 : memref<10240x48xf32, #tpu.memory_space<hbm>>) target(%arg9 : memref<128x48xf32, #tpu.memory_space<vmem>>) offsets(%dma_start3A_11 : memref<128xi32, #tpu.memory_space<vmem>>) semaphore(%arg14 : memref<!tpu.dma_semaphore, #tpu.memory_space<semaphore_mem>>)
    %dma_start3A_15 = arith.constant 1 : i32
    %dma_start3A_16 = arith.constant 0 : i32
    %dma_start3A_17 = tpu.memref_slice %arg7[%dma_start3A_15, %dma_start3A_16] : memref<160x128xi32, #tpu.memory_space<vmem>> -> memref<1x128xi32, #tpu.memory_space<vmem>>
    %dma_start3A_18 = tpu.memref_squeeze %dma_start3A_17 : memref<1x128xi32, #tpu.memory_space<vmem>> -> memref<128xi32, #tpu.memory_space<vmem>>
    %dma_start3A_19 = arith.constant 0 : i32
    %dma_start3A_20 = arith.constant 0 : i32
    %dma_start3A_21 = tpu.memref_slice %arg2[%dma_start3A_19, %dma_start3A_20] : memref<10240x48xf32, #tpu.memory_space<hbm>> -> memref<10240x48xf32, #tpu.memory_space<hbm>>
    tpu.enqueue_indirect_dma source(%dma_start3A_21 : memref<10240x48xf32, #tpu.memory_space<hbm>>) target(%arg10 : memref<128x48xf32, #tpu.memory_space<vmem>>) offsets(%dma_start3A_18 : memref<128xi32, #tpu.memory_space<vmem>>) semaphore(%arg15 : memref<!tpu.dma_semaphore, #tpu.memory_space<semaphore_mem>>)
    %dma_start3A_22 = arith.constant 2 : i32
    %dma_start3A_23 = arith.constant 0 : i32
    %dma_start3A_24 = tpu.memref_slice %arg7[%dma_start3A_22, %dma_start3A_23] : memref<160x128xi32, #tpu.memory_space<vmem>> -> memref<1x128xi32, #tpu.memory_space<vmem>>
    %dma_start3A_25 = tpu.memref_squeeze %dma_start3A_24 : memref<1x128xi32, #tpu.memory_space<vmem>> -> memref<128xi32, #tpu.memory_space<vmem>>
    %dma_start3A_26 = arith.constant 0 : i32
    %dma_start3A_27 = arith.constant 0 : i32
    %dma_start3A_28 = tpu.memref_slice %arg2[%dma_start3A_26, %dma_start3A_27] : memref<10240x48xf32, #tpu.memory_space<hbm>> -> memref<10240x48xf32, #tpu.memory_space<hbm>>
    tpu.enqueue_indirect_dma source(%dma_start3A_28 : memref<10240x48xf32, #tpu.memory_space<hbm>>) target(%arg11 : memref<128x48xf32, #tpu.memory_space<vmem>>) offsets(%dma_start3A_25 : memref<128xi32, #tpu.memory_space<vmem>>) semaphore(%arg16 : memref<!tpu.dma_semaphore, #tpu.memory_space<semaphore_mem>>)
    %dma_start3A_29 = arith.constant 3 : i32
    %dma_start3A_30 = arith.constant 0 : i32
    %dma_start3A_31 = tpu.memref_slice %arg7[%dma_start3A_29, %dma_start3A_30] : memref<160x128xi32, #tpu.memory_space<vmem>> -> memref<1x128xi32, #tpu.memory_space<vmem>>
    %dma_start3A_32 = tpu.memref_squeeze %dma_start3A_31 : memref<1x128xi32, #tpu.memory_space<vmem>> -> memref<128xi32, #tpu.memory_space<vmem>>
    %dma_start3A_33 = arith.constant 0 : i32
    %dma_start3A_34 = arith.constant 0 : i32
    %dma_start3A_35 = tpu.memref_slice %arg2[%dma_start3A_33, %dma_start3A_34] : memref<10240x48xf32, #tpu.memory_space<hbm>> -> memref<10240x48xf32, #tpu.memory_space<hbm>>
    tpu.enqueue_indirect_dma source(%dma_start3A_35 : memref<10240x48xf32, #tpu.memory_space<hbm>>) target(%arg12 : memref<128x48xf32, #tpu.memory_space<vmem>>) offsets(%dma_start3A_32 : memref<128xi32, #tpu.memory_space<vmem>>) semaphore(%arg17 : memref<!tpu.dma_semaphore, #tpu.memory_space<semaphore_mem>>)
    %scan3A_36 = arith.constant 0 : i32
    %scan3A_37 = arith.constant 40 : i32
    %scan3A_38 = arith.addi %scan3A_36, %scan3A_37 : i32
    %scan3A_39 = arith.constant 1 : i32
    scf.for %scan3A_42 = %scan3A_36 to %scan3A_38 step %scan3A_39  : i32 {
      %mul3A_43 = arith.constant 4 : i32
      %mul3A_44 = arith.muli %scan3A_42, %mul3A_43 : i32
      %add3A_45 = arith.constant 0 : i32
      %add3A_46 = arith.addi %add3A_45, %mul3A_44 : i32
      %add3A_47 = arith.constant 0 : i32
      %add3A_48 = arith.addi %add3A_46, %add3A_47 : i32
      %dma_wait3A = arith.constant 0 : i32
      %dma_wait3A_49 = tpu.memref_slice %arg7[%add3A_48, %dma_wait3A] : memref<160x128xi32, #tpu.memory_space<vmem>> -> memref<1x128xi32, #tpu.memory_space<vmem>>
      %dma_wait3A_50 = tpu.memref_squeeze %dma_wait3A_49 : memref<1x128xi32, #tpu.memory_space<vmem>> -> memref<128xi32, #tpu.memory_space<vmem>>
      %dma_wait3A_51 = arith.constant 0 : i32
      %dma_wait3A_52 = arith.constant 0 : i32
      %dma_wait3A_53 = tpu.memref_slice %arg2[%dma_wait3A_51, %dma_wait3A_52] : memref<10240x48xf32, #tpu.memory_space<hbm>> -> memref<10240x48xf32, #tpu.memory_space<hbm>>
      tpu.wait_indirect_dma semaphore(%arg14 : memref<!tpu.dma_semaphore, #tpu.memory_space<semaphore_mem>>) src(%dma_wait3A_53 : memref<10240x48xf32, #tpu.memory_space<hbm>>) dst(%arg9 : memref<128x48xf32, #tpu.memory_space<vmem>>)
      %add3A_54 = arith.constant 0 : i32
      %add3A_55 = arith.addi %add3A_46, %add3A_54 : i32
      "tpu.region"() ({
        %run_scoped3A = tpu.sem_alloc : memref<!tpu.dma_semaphore, #tpu.memory_space<semaphore_mem>>
        %dma_start3A_119 = arith.constant 0 : i32
        %dma_start3A_120 = tpu.memref_slice %arg8[%add3A_55, %dma_start3A_119] : memref<160x128xi32, #tpu.memory_space<vmem>> -> memref<1x128xi32, #tpu.memory_space<vmem>>
        %dma_start3A_121 = tpu.memref_squeeze %dma_start3A_120 : memref<1x128xi32, #tpu.memory_space<vmem>> -> memref<128xi32, #tpu.memory_space<vmem>>
        %dma_start3A_122 = arith.constant 0 : i32
        %dma_start3A_123 = arith.constant 0 : i32
        %dma_start3A_124 = tpu.memref_slice %arg13[%dma_start3A_122, %dma_start3A_123] : memref<10240x48xf32, #tpu.memory_space<vmem_shared>> -> memref<10240x48xf32, #tpu.memory_space<vmem_shared>>
        tpu.enqueue_indirect_dma source(%arg9 : memref<128x48xf32, #tpu.memory_space<vmem>>) target(%dma_start3A_124 : memref<10240x48xf32, #tpu.memory_space<vmem_shared>>) offsets(%dma_start3A_121 : memref<128xi32, #tpu.memory_space<vmem>>) semaphore(%run_scoped3A : memref<!tpu.dma_semaphore, #tpu.memory_space<semaphore_mem>>) {add = true}
        %dma_wait3A_125 = arith.constant 0 : i32
        %dma_wait3A_126 = tpu.memref_slice %arg8[%add3A_55, %dma_wait3A_125] : memref<160x128xi32, #tpu.memory_space<vmem>> -> memref<1x128xi32, #tpu.memory_space<vmem>>
        %dma_wait3A_127 = tpu.memref_squeeze %dma_wait3A_126 : memref<1x128xi32, #tpu.memory_space<vmem>> -> memref<128xi32, #tpu.memory_space<vmem>>
        %dma_wait3A_128 = arith.constant 0 : i32
        %dma_wait3A_129 = arith.constant 0 : i32
        %dma_wait3A_130 = tpu.memref_slice %arg13[%dma_wait3A_128, %dma_wait3A_129] : memref<10240x48xf32, #tpu.memory_space<vmem_shared>> -> memref<10240x48xf32, #tpu.memory_space<vmem_shared>>
        tpu.wait_indirect_dma semaphore(%run_scoped3A : memref<!tpu.dma_semaphore, #tpu.memory_space<semaphore_mem>>) src(%arg9 : memref<128x48xf32, #tpu.memory_space<vmem>>) dst(%dma_wait3A_130 : memref<10240x48xf32, #tpu.memory_space<vmem_shared>>)
        tpu.yield
      }) : () -> ()
      %add3A_56 = arith.constant 0 : i32
      %add3A_57 = arith.addi %add3A_46, %add3A_56 : i32
      %add3A_58 = arith.constant 4 : i32
      %add3A_59 = arith.addi %add3A_57, %add3A_58 : i32
      %lt3A = arith.constant 160 : i32
      %lt3A_60 = arith.cmpi slt, %add3A_59, %lt3A : i32
      %convert_element_type3A = arith.extui %lt3A_60 : i1 to i32
      %cond3A = arith.constant 0 : i32
      %cond3A_61 = arith.cmpi ne, %convert_element_type3A, %cond3A : i32
      scf.if %cond3A_61 {
        %add3A_119 = arith.constant 0 : i32
        %add3A_120 = arith.addi %add3A_46, %add3A_119 : i32
        %add3A_121 = arith.constant 4 : i32
        %add3A_122 = arith.addi %add3A_120, %add3A_121 : i32
        %dma_start3A_123 = arith.constant 0 : i32
        %dma_start3A_124 = tpu.memref_slice %arg7[%add3A_122, %dma_start3A_123] : memref<160x128xi32, #tpu.memory_space<vmem>> -> memref<1x128xi32, #tpu.memory_space<vmem>>
        %dma_start3A_125 = tpu.memref_squeeze %dma_start3A_124 : memref<1x128xi32, #tpu.memory_space<vmem>> -> memref<128xi32, #tpu.memory_space<vmem>>
        %dma_start3A_126 = arith.constant 0 : i32
        %dma_start3A_127 = arith.constant 0 : i32
        %dma_start3A_128 = tpu.memref_slice %arg2[%dma_start3A_126, %dma_start3A_127] : memref<10240x48xf32, #tpu.memory_space<hbm>> -> memref<10240x48xf32, #tpu.memory_space<hbm>>
        tpu.enqueue_indirect_dma source(%dma_start3A_128 : memref<10240x48xf32, #tpu.memory_space<hbm>>) target(%arg9 : memref<128x48xf32, #tpu.memory_space<vmem>>) offsets(%dma_start3A_125 : memref<128xi32, #tpu.memory_space<vmem>>) semaphore(%arg14 : memref<!tpu.dma_semaphore, #tpu.memory_space<semaphore_mem>>)
      } else {
      }
      %add3A_62 = arith.constant 1 : i32
      %add3A_63 = arith.addi %add3A_46, %add3A_62 : i32
      %dma_wait3A_64 = arith.constant 0 : i32
      %dma_wait3A_65 = tpu.memref_slice %arg7[%add3A_63, %dma_wait3A_64] : memref<160x128xi32, #tpu.memory_space<vmem>> -> memref<1x128xi32, #tpu.memory_space<vmem>>
      %dma_wait3A_66 = tpu.memref_squeeze %dma_wait3A_65 : memref<1x128xi32, #tpu.memory_space<vmem>> -> memref<128xi32, #tpu.memory_space<vmem>>
      %dma_wait3A_67 = arith.constant 0 : i32
      %dma_wait3A_68 = arith.constant 0 : i32
      %dma_wait3A_69 = tpu.memref_slice %arg2[%dma_wait3A_67, %dma_wait3A_68] : memref<10240x48xf32, #tpu.memory_space<hbm>> -> memref<10240x48xf32, #tpu.memory_space<hbm>>
      tpu.wait_indirect_dma semaphore(%arg15 : memref<!tpu.dma_semaphore, #tpu.memory_space<semaphore_mem>>) src(%dma_wait3A_69 : memref<10240x48xf32, #tpu.memory_space<hbm>>) dst(%arg10 : memref<128x48xf32, #tpu.memory_space<vmem>>)
      %add3A_70 = arith.constant 1 : i32
      %add3A_71 = arith.addi %add3A_46, %add3A_70 : i32
      "tpu.region"() ({
        %run_scoped3A = tpu.sem_alloc : memref<!tpu.dma_semaphore, #tpu.memory_space<semaphore_mem>>
        %dma_start3A_119 = arith.constant 0 : i32
        %dma_start3A_120 = tpu.memref_slice %arg8[%add3A_71, %dma_start3A_119] : memref<160x128xi32, #tpu.memory_space<vmem>> -> memref<1x128xi32, #tpu.memory_space<vmem>>
        %dma_start3A_121 = tpu.memref_squeeze %dma_start3A_120 : memref<1x128xi32, #tpu.memory_space<vmem>> -> memref<128xi32, #tpu.memory_space<vmem>>
        %dma_start3A_122 = arith.constant 0 : i32
        %dma_start3A_123 = arith.constant 0 : i32
        %dma_start3A_124 = tpu.memref_slice %arg13[%dma_start3A_122, %dma_start3A_123] : memref<10240x48xf32, #tpu.memory_space<vmem_shared>> -> memref<10240x48xf32, #tpu.memory_space<vmem_shared>>
        tpu.enqueue_indirect_dma source(%arg10 : memref<128x48xf32, #tpu.memory_space<vmem>>) target(%dma_start3A_124 : memref<10240x48xf32, #tpu.memory_space<vmem_shared>>) offsets(%dma_start3A_121 : memref<128xi32, #tpu.memory_space<vmem>>) semaphore(%run_scoped3A : memref<!tpu.dma_semaphore, #tpu.memory_space<semaphore_mem>>) {add = true}
        %dma_wait3A_125 = arith.constant 0 : i32
        %dma_wait3A_126 = tpu.memref_slice %arg8[%add3A_71, %dma_wait3A_125] : memref<160x128xi32, #tpu.memory_space<vmem>> -> memref<1x128xi32, #tpu.memory_space<vmem>>
        %dma_wait3A_127 = tpu.memref_squeeze %dma_wait3A_126 : memref<1x128xi32, #tpu.memory_space<vmem>> -> memref<128xi32, #tpu.memory_space<vmem>>
        %dma_wait3A_128 = arith.constant 0 : i32
        %dma_wait3A_129 = arith.constant 0 : i32
        %dma_wait3A_130 = tpu.memref_slice %arg13[%dma_wait3A_128, %dma_wait3A_129] : memref<10240x48xf32, #tpu.memory_space<vmem_shared>> -> memref<10240x48xf32, #tpu.memory_space<vmem_shared>>
        tpu.wait_indirect_dma semaphore(%run_scoped3A : memref<!tpu.dma_semaphore, #tpu.memory_space<semaphore_mem>>) src(%arg10 : memref<128x48xf32, #tpu.memory_space<vmem>>) dst(%dma_wait3A_130 : memref<10240x48xf32, #tpu.memory_space<vmem_shared>>)
        tpu.yield
      }) : () -> ()
      %add3A_72 = arith.constant 1 : i32
      %add3A_73 = arith.addi %add3A_46, %add3A_72 : i32
      %add3A_74 = arith.constant 4 : i32
      %add3A_75 = arith.addi %add3A_73, %add3A_74 : i32
      %lt3A_76 = arith.constant 160 : i32
      %lt3A_77 = arith.cmpi slt, %add3A_75, %lt3A_76 : i32
      %convert_element_type3A_78 = arith.extui %lt3A_77 : i1 to i32
      %cond3A_79 = arith.constant 0 : i32
      %cond3A_80 = arith.cmpi ne, %convert_element_type3A_78, %cond3A_79 : i32
      scf.if %cond3A_80 {
        %add3A_119 = arith.constant 1 : i32
        %add3A_120 = arith.addi %add3A_46, %add3A_119 : i32
        %add3A_121 = arith.constant 4 : i32
        %add3A_122 = arith.addi %add3A_120, %add3A_121 : i32
        %dma_start3A_123 = arith.constant 0 : i32
        %dma_start3A_124 = tpu.memref_slice %arg7[%add3A_122, %dma_start3A_123] : memref<160x128xi32, #tpu.memory_space<vmem>> -> memref<1x128xi32, #tpu.memory_space<vmem>>
        %dma_start3A_125 = tpu.memref_squeeze %dma_start3A_124 : memref<1x128xi32, #tpu.memory_space<vmem>> -> memref<128xi32, #tpu.memory_space<vmem>>
        %dma_start3A_126 = arith.constant 0 : i32
        %dma_start3A_127 = arith.constant 0 : i32
        %dma_start3A_128 = tpu.memref_slice %arg2[%dma_start3A_126, %dma_start3A_127] : memref<10240x48xf32, #tpu.memory_space<hbm>> -> memref<10240x48xf32, #tpu.memory_space<hbm>>
        tpu.enqueue_indirect_dma source(%dma_start3A_128 : memref<10240x48xf32, #tpu.memory_space<hbm>>) target(%arg10 : memref<128x48xf32, #tpu.memory_space<vmem>>) offsets(%dma_start3A_125 : memref<128xi32, #tpu.memory_space<vmem>>) semaphore(%arg15 : memref<!tpu.dma_semaphore, #tpu.memory_space<semaphore_mem>>)
      } else {
      }
      %add3A_81 = arith.constant 2 : i32
      %add3A_82 = arith.addi %add3A_46, %add3A_81 : i32
      %dma_wait3A_83 = arith.constant 0 : i32
      %dma_wait3A_84 = tpu.memref_slice %arg7[%add3A_82, %dma_wait3A_83] : memref<160x128xi32, #tpu.memory_space<vmem>> -> memref<1x128xi32, #tpu.memory_space<vmem>>
      %dma_wait3A_85 = tpu.memref_squeeze %dma_wait3A_84 : memref<1x128xi32, #tpu.memory_space<vmem>> -> memref<128xi32, #tpu.memory_space<vmem>>
      %dma_wait3A_86 = arith.constant 0 : i32
      %dma_wait3A_87 = arith.constant 0 : i32
      %dma_wait3A_88 = tpu.memref_slice %arg2[%dma_wait3A_86, %dma_wait3A_87] : memref<10240x48xf32, #tpu.memory_space<hbm>> -> memref<10240x48xf32, #tpu.memory_space<hbm>>
      tpu.wait_indirect_dma semaphore(%arg16 : memref<!tpu.dma_semaphore, #tpu.memory_space<semaphore_mem>>) src(%dma_wait3A_88 : memref<10240x48xf32, #tpu.memory_space<hbm>>) dst(%arg11 : memref<128x48xf32, #tpu.memory_space<vmem>>)
      %add3A_89 = arith.constant 2 : i32
      %add3A_90 = arith.addi %add3A_46, %add3A_89 : i32
      "tpu.region"() ({
        %run_scoped3A = tpu.sem_alloc : memref<!tpu.dma_semaphore, #tpu.memory_space<semaphore_mem>>
        %dma_start3A_119 = arith.constant 0 : i32
        %dma_start3A_120 = tpu.memref_slice %arg8[%add3A_90, %dma_start3A_119] : memref<160x128xi32, #tpu.memory_space<vmem>> -> memref<1x128xi32, #tpu.memory_space<vmem>>
        %dma_start3A_121 = tpu.memref_squeeze %dma_start3A_120 : memref<1x128xi32, #tpu.memory_space<vmem>> -> memref<128xi32, #tpu.memory_space<vmem>>
        %dma_start3A_122 = arith.constant 0 : i32
        %dma_start3A_123 = arith.constant 0 : i32
        %dma_start3A_124 = tpu.memref_slice %arg13[%dma_start3A_122, %dma_start3A_123] : memref<10240x48xf32, #tpu.memory_space<vmem_shared>> -> memref<10240x48xf32, #tpu.memory_space<vmem_shared>>
        tpu.enqueue_indirect_dma source(%arg11 : memref<128x48xf32, #tpu.memory_space<vmem>>) target(%dma_start3A_124 : memref<10240x48xf32, #tpu.memory_space<vmem_shared>>) offsets(%dma_start3A_121 : memref<128xi32, #tpu.memory_space<vmem>>) semaphore(%run_scoped3A : memref<!tpu.dma_semaphore, #tpu.memory_space<semaphore_mem>>) {add = true}
        %dma_wait3A_125 = arith.constant 0 : i32
        %dma_wait3A_126 = tpu.memref_slice %arg8[%add3A_90, %dma_wait3A_125] : memref<160x128xi32, #tpu.memory_space<vmem>> -> memref<1x128xi32, #tpu.memory_space<vmem>>
        %dma_wait3A_127 = tpu.memref_squeeze %dma_wait3A_126 : memref<1x128xi32, #tpu.memory_space<vmem>> -> memref<128xi32, #tpu.memory_space<vmem>>
        %dma_wait3A_128 = arith.constant 0 : i32
        %dma_wait3A_129 = arith.constant 0 : i32
        %dma_wait3A_130 = tpu.memref_slice %arg13[%dma_wait3A_128, %dma_wait3A_129] : memref<10240x48xf32, #tpu.memory_space<vmem_shared>> -> memref<10240x48xf32, #tpu.memory_space<vmem_shared>>
        tpu.wait_indirect_dma semaphore(%run_scoped3A : memref<!tpu.dma_semaphore, #tpu.memory_space<semaphore_mem>>) src(%arg11 : memref<128x48xf32, #tpu.memory_space<vmem>>) dst(%dma_wait3A_130 : memref<10240x48xf32, #tpu.memory_space<vmem_shared>>)
        tpu.yield
      }) : () -> ()
      %add3A_91 = arith.constant 2 : i32
      %add3A_92 = arith.addi %add3A_46, %add3A_91 : i32
      %add3A_93 = arith.constant 4 : i32
      %add3A_94 = arith.addi %add3A_92, %add3A_93 : i32
      %lt3A_95 = arith.constant 160 : i32
      %lt3A_96 = arith.cmpi slt, %add3A_94, %lt3A_95 : i32
      %convert_element_type3A_97 = arith.extui %lt3A_96 : i1 to i32
      %cond3A_98 = arith.constant 0 : i32
      %cond3A_99 = arith.cmpi ne, %convert_element_type3A_97, %cond3A_98 : i32
      scf.if %cond3A_99 {
        %add3A_119 = arith.constant 2 : i32
        %add3A_120 = arith.addi %add3A_46, %add3A_119 : i32
        %add3A_121 = arith.constant 4 : i32
        %add3A_122 = arith.addi %add3A_120, %add3A_121 : i32
        %dma_start3A_123 = arith.constant 0 : i32
        %dma_start3A_124 = tpu.memref_slice %arg7[%add3A_122, %dma_start3A_123] : memref<160x128xi32, #tpu.memory_space<vmem>> -> memref<1x128xi32, #tpu.memory_space<vmem>>
        %dma_start3A_125 = tpu.memref_squeeze %dma_start3A_124 : memref<1x128xi32, #tpu.memory_space<vmem>> -> memref<128xi32, #tpu.memory_space<vmem>>
        %dma_start3A_126 = arith.constant 0 : i32
        %dma_start3A_127 = arith.constant 0 : i32
        %dma_start3A_128 = tpu.memref_slice %arg2[%dma_start3A_126, %dma_start3A_127] : memref<10240x48xf32, #tpu.memory_space<hbm>> -> memref<10240x48xf32, #tpu.memory_space<hbm>>
        tpu.enqueue_indirect_dma source(%dma_start3A_128 : memref<10240x48xf32, #tpu.memory_space<hbm>>) target(%arg11 : memref<128x48xf32, #tpu.memory_space<vmem>>) offsets(%dma_start3A_125 : memref<128xi32, #tpu.memory_space<vmem>>) semaphore(%arg16 : memref<!tpu.dma_semaphore, #tpu.memory_space<semaphore_mem>>)
      } else {
      }
      %add3A_100 = arith.constant 3 : i32
      %add3A_101 = arith.addi %add3A_46, %add3A_100 : i32
      %dma_wait3A_102 = arith.constant 0 : i32
      %dma_wait3A_103 = tpu.memref_slice %arg7[%add3A_101, %dma_wait3A_102] : memref<160x128xi32, #tpu.memory_space<vmem>> -> memref<1x128xi32, #tpu.memory_space<vmem>>
      %dma_wait3A_104 = tpu.memref_squeeze %dma_wait3A_103 : memref<1x128xi32, #tpu.memory_space<vmem>> -> memref<128xi32, #tpu.memory_space<vmem>>
      %dma_wait3A_105 = arith.constant 0 : i32
      %dma_wait3A_106 = arith.constant 0 : i32
      %dma_wait3A_107 = tpu.memref_slice %arg2[%dma_wait3A_105, %dma_wait3A_106] : memref<10240x48xf32, #tpu.memory_space<hbm>> -> memref<10240x48xf32, #tpu.memory_space<hbm>>
      tpu.wait_indirect_dma semaphore(%arg17 : memref<!tpu.dma_semaphore, #tpu.memory_space<semaphore_mem>>) src(%dma_wait3A_107 : memref<10240x48xf32, #tpu.memory_space<hbm>>) dst(%arg12 : memref<128x48xf32, #tpu.memory_space<vmem>>)
      %add3A_108 = arith.constant 3 : i32
      %add3A_109 = arith.addi %add3A_46, %add3A_108 : i32
      "tpu.region"() ({
        %run_scoped3A = tpu.sem_alloc : memref<!tpu.dma_semaphore, #tpu.memory_space<semaphore_mem>>
        %dma_start3A_119 = arith.constant 0 : i32
        %dma_start3A_120 = tpu.memref_slice %arg8[%add3A_109, %dma_start3A_119] : memref<160x128xi32, #tpu.memory_space<vmem>> -> memref<1x128xi32, #tpu.memory_space<vmem>>
        %dma_start3A_121 = tpu.memref_squeeze %dma_start3A_120 : memref<1x128xi32, #tpu.memory_space<vmem>> -> memref<128xi32, #tpu.memory_space<vmem>>
        %dma_start3A_122 = arith.constant 0 : i32
        %dma_start3A_123 = arith.constant 0 : i32
        %dma_start3A_124 = tpu.memref_slice %arg13[%dma_start3A_122, %dma_start3A_123] : memref<10240x48xf32, #tpu.memory_space<vmem_shared>> -> memref<10240x48xf32, #tpu.memory_space<vmem_shared>>
        tpu.enqueue_indirect_dma source(%arg12 : memref<128x48xf32, #tpu.memory_space<vmem>>) target(%dma_start3A_124 : memref<10240x48xf32, #tpu.memory_space<vmem_shared>>) offsets(%dma_start3A_121 : memref<128xi32, #tpu.memory_space<vmem>>) semaphore(%run_scoped3A : memref<!tpu.dma_semaphore, #tpu.memory_space<semaphore_mem>>) {add = true}
        %dma_wait3A_125 = arith.constant 0 : i32
        %dma_wait3A_126 = tpu.memref_slice %arg8[%add3A_109, %dma_wait3A_125] : memref<160x128xi32, #tpu.memory_space<vmem>> -> memref<1x128xi32, #tpu.memory_space<vmem>>
        %dma_wait3A_127 = tpu.memref_squeeze %dma_wait3A_126 : memref<1x128xi32, #tpu.memory_space<vmem>> -> memref<128xi32, #tpu.memory_space<vmem>>
        %dma_wait3A_128 = arith.constant 0 : i32
        %dma_wait3A_129 = arith.constant 0 : i32
        %dma_wait3A_130 = tpu.memref_slice %arg13[%dma_wait3A_128, %dma_wait3A_129] : memref<10240x48xf32, #tpu.memory_space<vmem_shared>> -> memref<10240x48xf32, #tpu.memory_space<vmem_shared>>
        tpu.wait_indirect_dma semaphore(%run_scoped3A : memref<!tpu.dma_semaphore, #tpu.memory_space<semaphore_mem>>) src(%arg12 : memref<128x48xf32, #tpu.memory_space<vmem>>) dst(%dma_wait3A_130 : memref<10240x48xf32, #tpu.memory_space<vmem_shared>>)
        tpu.yield
      }) : () -> ()
      %add3A_110 = arith.constant 3 : i32
      %add3A_111 = arith.addi %add3A_46, %add3A_110 : i32
      %add3A_112 = arith.constant 4 : i32
      %add3A_113 = arith.addi %add3A_111, %add3A_112 : i32
      %lt3A_114 = arith.constant 160 : i32
      %lt3A_115 = arith.cmpi slt, %add3A_113, %lt3A_114 : i32
      %convert_element_type3A_116 = arith.extui %lt3A_115 : i1 to i32
      %cond3A_117 = arith.constant 0 : i32
      %cond3A_118 = arith.cmpi ne, %convert_element_type3A_116, %cond3A_117 : i32
      scf.if %cond3A_118 {
        %add3A_119 = arith.constant 3 : i32
        %add3A_120 = arith.addi %add3A_46, %add3A_119 : i32
        %add3A_121 = arith.constant 4 : i32
        %add3A_122 = arith.addi %add3A_120, %add3A_121 : i32
        %dma_start3A_123 = arith.constant 0 : i32
        %dma_start3A_124 = tpu.memref_slice %arg7[%add3A_122, %dma_start3A_123] : memref<160x128xi32, #tpu.memory_space<vmem>> -> memref<1x128xi32, #tpu.memory_space<vmem>>
        %dma_start3A_125 = tpu.memref_squeeze %dma_start3A_124 : memref<1x128xi32, #tpu.memory_space<vmem>> -> memref<128xi32, #tpu.memory_space<vmem>>
        %dma_start3A_126 = arith.constant 0 : i32
        %dma_start3A_127 = arith.constant 0 : i32
        %dma_start3A_128 = tpu.memref_slice %arg2[%dma_start3A_126, %dma_start3A_127] : memref<10240x48xf32, #tpu.memory_space<hbm>> -> memref<10240x48xf32, #tpu.memory_space<hbm>>
        tpu.enqueue_indirect_dma source(%dma_start3A_128 : memref<10240x48xf32, #tpu.memory_space<hbm>>) target(%arg12 : memref<128x48xf32, #tpu.memory_space<vmem>>) offsets(%dma_start3A_125 : memref<128xi32, #tpu.memory_space<vmem>>) semaphore(%arg17 : memref<!tpu.dma_semaphore, #tpu.memory_space<semaphore_mem>>)
      } else {
      }
    }
    %scan3A_40 = arith.constant 40 : i32
    %barrier3A_41 = arith.constant 0 : index
    tpu.barrier barrier_id(%barrier3A_41)
    "tpu.region"() ({
      %run_scoped3A = tpu.sem_alloc : memref<!tpu.dma_semaphore, #tpu.memory_space<semaphore_mem>>
      %dma_start3A_42 = arith.constant 0 : i32
      %dma_start3A_43 = tpu.memref_slice %arg6[%arg0, %mul3A_4, %dma_start3A_42] : memref<1x10240x48xf32, #tpu.memory_space<hbm>> -> memref<1x640x48xf32, #tpu.memory_space<hbm>>
      %dma_start3A_44 = tpu.memref_squeeze %dma_start3A_43 : memref<1x640x48xf32, #tpu.memory_space<hbm>> -> memref<640x48xf32, #tpu.memory_space<hbm>>
      %dma_start3A_45 = arith.constant 0 : i32
      %dma_start3A_46 = tpu.memref_slice %arg13[%mul3A_4, %dma_start3A_45] : memref<10240x48xf32, #tpu.memory_space<vmem_shared>> -> memref<640x48xf32, #tpu.memory_space<vmem_shared>>
      tpu.enqueue_dma source(%dma_start3A_46 : memref<640x48xf32, #tpu.memory_space<vmem_shared>>) target(%dma_start3A_44 : memref<640x48xf32, #tpu.memory_space<hbm>>) target_semaphore(%run_scoped3A : memref<!tpu.dma_semaphore, #tpu.memory_space<semaphore_mem>>)
      %dma_wait3A = arith.constant 0 : i32
      %dma_wait3A_47 = tpu.memref_slice %arg6[%arg0, %mul3A_4, %dma_wait3A] : memref<1x10240x48xf32, #tpu.memory_space<hbm>> -> memref<1x640x48xf32, #tpu.memory_space<hbm>>
      %dma_wait3A_48 = tpu.memref_squeeze %dma_wait3A_47 : memref<1x640x48xf32, #tpu.memory_space<hbm>> -> memref<640x48xf32, #tpu.memory_space<hbm>>
      %dma_wait3A_49 = arith.constant 0 : i32
      %dma_wait3A_50 = tpu.memref_slice %arg13[%mul3A_4, %dma_wait3A_49] : memref<10240x48xf32, #tpu.memory_space<vmem_shared>> -> memref<640x48xf32, #tpu.memory_space<vmem_shared>>
      tpu.wait_dma2 semaphore(%run_scoped3A : memref<!tpu.dma_semaphore, #tpu.memory_space<semaphore_mem>>) src(%dma_wait3A_50 : memref<640x48xf32, #tpu.memory_space<vmem_shared>>) dst(%dma_wait3A_48 : memref<640x48xf32, #tpu.memory_space<hbm>>)
      tpu.yield
    }) : () -> ()
    return
  }
}

#map = affine_map<(d0, d1) -> (0, 0, 0)>
#map1 = affine_map<(d0, d1) -> (0, 0)>
module attributes {stable_mosaic.version = 14 : i64} {
  func.func @deg_kernel(%arg0: i32, %arg1: i32, %arg2: memref<16x160x128xi32, #tpu.memory_space<hbm>>, %arg3: memref<256x16xf32, #tpu.memory_space<hbm>>, %arg4: memref<1x10240x16xf32, #tpu.memory_space<hbm>>, %arg5: memref<160x128xi32, #tpu.memory_space<vmem>>, %arg6: memref<128x16xf32, #tpu.memory_space<vmem>>, %arg7: memref<10240x16xf32, #tpu.memory_space<vmem_shared>>) attributes {dimension_semantics = [#tpu.dimension_semantics<core_parallel>, #tpu.dimension_semantics<subcore_parallel>], iteration_bounds = array<i64: 1, 16>, scalar_prefetch = 0 : i64, scratch_operands = 3 : i64, tpu.core_type = #tpu.core_type<sc_vector_subcore>, window_params = [{transform_indices = #map}, {transform_indices = #map1}, {transform_indices = #map}]} {
    %mul3A = arith.constant 16 : i32
    %mul3A_0 = arith.muli %arg0, %mul3A : i32
    %add3A = arith.addi %mul3A_0, %arg1 : i32
    %mul3A_1 = arith.constant 0 : i32
    %mul3A_2 = arith.muli %add3A, %mul3A_1 : i32
    "tpu.region"() ({
      %run_scoped3A = tpu.sem_alloc : memref<!tpu.dma_semaphore, #tpu.memory_space<semaphore_mem>>
      %dma_start3A = arith.constant 0 : i32
      %dma_start3A_15 = arith.constant 0 : i32
      %dma_start3A_16 = tpu.memref_slice %arg2[%add3A, %dma_start3A, %dma_start3A_15] : memref<16x160x128xi32, #tpu.memory_space<hbm>> -> memref<1x160x128xi32, #tpu.memory_space<hbm>>
      %dma_start3A_17 = tpu.memref_squeeze %dma_start3A_16 : memref<1x160x128xi32, #tpu.memory_space<hbm>> -> memref<160x128xi32, #tpu.memory_space<hbm>>
      %dma_start3A_18 = arith.constant 0 : i32
      %dma_start3A_19 = arith.constant 0 : i32
      %dma_start3A_20 = tpu.memref_slice %arg2[%add3A, %dma_start3A_18, %dma_start3A_19] : memref<16x160x128xi32, #tpu.memory_space<hbm>> -> memref<1x160x128xi32, #tpu.memory_space<hbm>>
      %dma_start3A_21 = tpu.memref_squeeze %dma_start3A_20 : memref<1x160x128xi32, #tpu.memory_space<hbm>> -> memref<160x128xi32, #tpu.memory_space<hbm>>
      tpu.enqueue_dma source(%dma_start3A_21 : memref<160x128xi32, #tpu.memory_space<hbm>>) target(%arg5 : memref<160x128xi32, #tpu.memory_space<vmem>>) target_semaphore(%run_scoped3A : memref<!tpu.dma_semaphore, #tpu.memory_space<semaphore_mem>>)
      %dma_wait3A = arith.constant 0 : i32
      %dma_wait3A_22 = arith.constant 0 : i32
      %dma_wait3A_23 = tpu.memref_slice %arg2[%add3A, %dma_wait3A, %dma_wait3A_22] : memref<16x160x128xi32, #tpu.memory_space<hbm>> -> memref<1x160x128xi32, #tpu.memory_space<hbm>>
      %dma_wait3A_24 = tpu.memref_squeeze %dma_wait3A_23 : memref<1x160x128xi32, #tpu.memory_space<hbm>> -> memref<160x128xi32, #tpu.memory_space<hbm>>
      %dma_wait3A_25 = arith.constant 0 : i32
      %dma_wait3A_26 = arith.constant 0 : i32
      %dma_wait3A_27 = tpu.memref_slice %arg2[%add3A, %dma_wait3A_25, %dma_wait3A_26] : memref<16x160x128xi32, #tpu.memory_space<hbm>> -> memref<1x160x128xi32, #tpu.memory_space<hbm>>
      %dma_wait3A_28 = tpu.memref_squeeze %dma_wait3A_27 : memref<1x160x128xi32, #tpu.memory_space<hbm>> -> memref<160x128xi32, #tpu.memory_space<hbm>>
      tpu.wait_dma2 semaphore(%run_scoped3A : memref<!tpu.dma_semaphore, #tpu.memory_space<semaphore_mem>>) src(%dma_wait3A_28 : memref<160x128xi32, #tpu.memory_space<hbm>>) dst(%arg5 : memref<160x128xi32, #tpu.memory_space<vmem>>)
      tpu.yield
    }) : () -> ()
    "tpu.region"() ({
      %run_scoped3A = tpu.sem_alloc : memref<!tpu.dma_semaphore, #tpu.memory_space<semaphore_mem>>
      %dma_start3A = arith.constant 0 : i32
      %dma_start3A_15 = arith.constant 0 : i32
      %dma_start3A_16 = tpu.memref_slice %arg3[%dma_start3A, %dma_start3A_15] : memref<256x16xf32, #tpu.memory_space<hbm>> -> memref<128x16xf32, #tpu.memory_space<hbm>>
      %dma_start3A_17 = arith.constant 0 : i32
      %dma_start3A_18 = arith.constant 0 : i32
      %dma_start3A_19 = tpu.memref_slice %arg3[%dma_start3A_17, %dma_start3A_18] : memref<256x16xf32, #tpu.memory_space<hbm>> -> memref<128x16xf32, #tpu.memory_space<hbm>>
      tpu.enqueue_dma source(%dma_start3A_19 : memref<128x16xf32, #tpu.memory_space<hbm>>) target(%arg6 : memref<128x16xf32, #tpu.memory_space<vmem>>) target_semaphore(%run_scoped3A : memref<!tpu.dma_semaphore, #tpu.memory_space<semaphore_mem>>)
      %dma_wait3A = arith.constant 0 : i32
      %dma_wait3A_20 = arith.constant 0 : i32
      %dma_wait3A_21 = tpu.memref_slice %arg3[%dma_wait3A, %dma_wait3A_20] : memref<256x16xf32, #tpu.memory_space<hbm>> -> memref<128x16xf32, #tpu.memory_space<hbm>>
      %dma_wait3A_22 = arith.constant 0 : i32
      %dma_wait3A_23 = arith.constant 0 : i32
      %dma_wait3A_24 = tpu.memref_slice %arg3[%dma_wait3A_22, %dma_wait3A_23] : memref<256x16xf32, #tpu.memory_space<hbm>> -> memref<128x16xf32, #tpu.memory_space<hbm>>
      tpu.wait_dma2 semaphore(%run_scoped3A : memref<!tpu.dma_semaphore, #tpu.memory_space<semaphore_mem>>) src(%dma_wait3A_24 : memref<128x16xf32, #tpu.memory_space<hbm>>) dst(%arg6 : memref<128x16xf32, #tpu.memory_space<vmem>>)
      tpu.yield
    }) : () -> ()
    %mul3A_3 = arith.constant 640 : i32
    %mul3A_4 = arith.muli %arg1, %mul3A_3 : i32
    %scan3A = arith.constant 0 : i32
    %scan3A_5 = arith.constant 5 : i32
    %scan3A_6 = arith.addi %scan3A, %scan3A_5 : i32
    %scan3A_7 = arith.constant 1 : i32
    scf.for %scan3A_15 = %scan3A to %scan3A_6 step %scan3A_7  : i32 {
      %mul3A_16 = arith.constant 1 : i32
      %mul3A_17 = arith.muli %scan3A_15, %mul3A_16 : i32
      %add3A_18 = arith.constant 0 : i32
      %add3A_19 = arith.addi %add3A_18, %mul3A_17 : i32
      %mul3A_20 = arith.constant 128 : i32
      %mul3A_21 = arith.muli %add3A_19, %mul3A_20 : i32
      %add3A_22 = arith.addi %mul3A_4, %mul3A_21 : i32
      "tpu.region"() ({
        %run_scoped3A = tpu.sem_alloc : memref<!tpu.dma_semaphore, #tpu.memory_space<semaphore_mem>>
        %dma_start3A = arith.constant 0 : i32
        %dma_start3A_23 = tpu.memref_slice %arg7[%add3A_22, %dma_start3A] : memref<10240x16xf32, #tpu.memory_space<vmem_shared>> -> memref<128x16xf32, #tpu.memory_space<vmem_shared>>
        %dma_start3A_24 = arith.constant 128 : i32
        %dma_start3A_25 = arith.constant 0 : i32
        %dma_start3A_26 = tpu.memref_slice %arg3[%dma_start3A_24, %dma_start3A_25] : memref<256x16xf32, #tpu.memory_space<hbm>> -> memref<128x16xf32, #tpu.memory_space<hbm>>
        tpu.enqueue_dma source(%dma_start3A_26 : memref<128x16xf32, #tpu.memory_space<hbm>>) target(%dma_start3A_23 : memref<128x16xf32, #tpu.memory_space<vmem_shared>>) target_semaphore(%run_scoped3A : memref<!tpu.dma_semaphore, #tpu.memory_space<semaphore_mem>>)
        %dma_wait3A = arith.constant 0 : i32
        %dma_wait3A_27 = tpu.memref_slice %arg7[%add3A_22, %dma_wait3A] : memref<10240x16xf32, #tpu.memory_space<vmem_shared>> -> memref<128x16xf32, #tpu.memory_space<vmem_shared>>
        %dma_wait3A_28 = arith.constant 128 : i32
        %dma_wait3A_29 = arith.constant 0 : i32
        %dma_wait3A_30 = tpu.memref_slice %arg3[%dma_wait3A_28, %dma_wait3A_29] : memref<256x16xf32, #tpu.memory_space<hbm>> -> memref<128x16xf32, #tpu.memory_space<hbm>>
        tpu.wait_dma2 semaphore(%run_scoped3A : memref<!tpu.dma_semaphore, #tpu.memory_space<semaphore_mem>>) src(%dma_wait3A_30 : memref<128x16xf32, #tpu.memory_space<hbm>>) dst(%dma_wait3A_27 : memref<128x16xf32, #tpu.memory_space<vmem_shared>>)
        tpu.yield
      }) : () -> ()
    }
    %scan3A_8 = arith.constant 5 : i32
    %barrier3A = arith.constant 0 : index
    tpu.barrier barrier_id(%barrier3A)
    %scan3A_9 = arith.constant 0 : i32
    %scan3A_10 = arith.constant 160 : i32
    %scan3A_11 = arith.addi %scan3A_9, %scan3A_10 : i32
    %scan3A_12 = arith.constant 1 : i32
    scf.for %scan3A_15 = %scan3A_9 to %scan3A_11 step %scan3A_12  : i32 {
      %mul3A_16 = arith.constant 1 : i32
      %mul3A_17 = arith.muli %scan3A_15, %mul3A_16 : i32
      %add3A_18 = arith.constant 0 : i32
      %add3A_19 = arith.addi %add3A_18, %mul3A_17 : i32
      "tpu.region"() ({
        %run_scoped3A = tpu.sem_alloc : memref<!tpu.dma_semaphore, #tpu.memory_space<semaphore_mem>>
        %dma_start3A = arith.constant 0 : i32
        %dma_start3A_20 = tpu.memref_slice %arg5[%add3A_19, %dma_start3A] : memref<160x128xi32, #tpu.memory_space<vmem>> -> memref<1x128xi32, #tpu.memory_space<vmem>>
        %dma_start3A_21 = tpu.memref_squeeze %dma_start3A_20 : memref<1x128xi32, #tpu.memory_space<vmem>> -> memref<128xi32, #tpu.memory_space<vmem>>
        %dma_start3A_22 = arith.constant 0 : i32
        %dma_start3A_23 = arith.constant 0 : i32
        %dma_start3A_24 = tpu.memref_slice %arg7[%dma_start3A_22, %dma_start3A_23] : memref<10240x16xf32, #tpu.memory_space<vmem_shared>> -> memref<10240x16xf32, #tpu.memory_space<vmem_shared>>
        tpu.enqueue_indirect_dma source(%arg6 : memref<128x16xf32, #tpu.memory_space<vmem>>) target(%dma_start3A_24 : memref<10240x16xf32, #tpu.memory_space<vmem_shared>>) offsets(%dma_start3A_21 : memref<128xi32, #tpu.memory_space<vmem>>) semaphore(%run_scoped3A : memref<!tpu.dma_semaphore, #tpu.memory_space<semaphore_mem>>) {add = true}
        %dma_wait3A = arith.constant 0 : i32
        %dma_wait3A_25 = tpu.memref_slice %arg5[%add3A_19, %dma_wait3A] : memref<160x128xi32, #tpu.memory_space<vmem>> -> memref<1x128xi32, #tpu.memory_space<vmem>>
        %dma_wait3A_26 = tpu.memref_squeeze %dma_wait3A_25 : memref<1x128xi32, #tpu.memory_space<vmem>> -> memref<128xi32, #tpu.memory_space<vmem>>
        %dma_wait3A_27 = arith.constant 0 : i32
        %dma_wait3A_28 = arith.constant 0 : i32
        %dma_wait3A_29 = tpu.memref_slice %arg7[%dma_wait3A_27, %dma_wait3A_28] : memref<10240x16xf32, #tpu.memory_space<vmem_shared>> -> memref<10240x16xf32, #tpu.memory_space<vmem_shared>>
        tpu.wait_indirect_dma semaphore(%run_scoped3A : memref<!tpu.dma_semaphore, #tpu.memory_space<semaphore_mem>>) src(%arg6 : memref<128x16xf32, #tpu.memory_space<vmem>>) dst(%dma_wait3A_29 : memref<10240x16xf32, #tpu.memory_space<vmem_shared>>)
        tpu.yield
      }) : () -> ()
    }
    %scan3A_13 = arith.constant 160 : i32
    %barrier3A_14 = arith.constant 0 : index
    tpu.barrier barrier_id(%barrier3A_14)
    "tpu.region"() ({
      %run_scoped3A = tpu.sem_alloc : memref<!tpu.dma_semaphore, #tpu.memory_space<semaphore_mem>>
      %dma_start3A = arith.constant 0 : i32
      %dma_start3A_15 = tpu.memref_slice %arg4[%arg0, %mul3A_4, %dma_start3A] : memref<1x10240x16xf32, #tpu.memory_space<hbm>> -> memref<1x640x16xf32, #tpu.memory_space<hbm>>
      %dma_start3A_16 = tpu.memref_squeeze %dma_start3A_15 : memref<1x640x16xf32, #tpu.memory_space<hbm>> -> memref<640x16xf32, #tpu.memory_space<hbm>>
      %dma_start3A_17 = arith.constant 0 : i32
      %dma_start3A_18 = tpu.memref_slice %arg7[%mul3A_4, %dma_start3A_17] : memref<10240x16xf32, #tpu.memory_space<vmem_shared>> -> memref<640x16xf32, #tpu.memory_space<vmem_shared>>
      tpu.enqueue_dma source(%dma_start3A_18 : memref<640x16xf32, #tpu.memory_space<vmem_shared>>) target(%dma_start3A_16 : memref<640x16xf32, #tpu.memory_space<hbm>>) target_semaphore(%run_scoped3A : memref<!tpu.dma_semaphore, #tpu.memory_space<semaphore_mem>>)
      %dma_wait3A = arith.constant 0 : i32
      %dma_wait3A_19 = tpu.memref_slice %arg4[%arg0, %mul3A_4, %dma_wait3A] : memref<1x10240x16xf32, #tpu.memory_space<hbm>> -> memref<1x640x16xf32, #tpu.memory_space<hbm>>
      %dma_wait3A_20 = tpu.memref_squeeze %dma_wait3A_19 : memref<1x640x16xf32, #tpu.memory_space<hbm>> -> memref<640x16xf32, #tpu.memory_space<hbm>>
      %dma_wait3A_21 = arith.constant 0 : i32
      %dma_wait3A_22 = tpu.memref_slice %arg7[%mul3A_4, %dma_wait3A_21] : memref<10240x16xf32, #tpu.memory_space<vmem_shared>> -> memref<640x16xf32, #tpu.memory_space<vmem_shared>>
      tpu.wait_dma2 semaphore(%run_scoped3A : memref<!tpu.dma_semaphore, #tpu.memory_space<semaphore_mem>>) src(%dma_wait3A_22 : memref<640x16xf32, #tpu.memory_space<vmem_shared>>) dst(%dma_wait3A_20 : memref<640x16xf32, #tpu.memory_space<hbm>>)
      tpu.yield
    }) : () -> ()
    return
  }
}

#map = affine_map<(d0, d1) -> (0, 0)>
#map1 = affine_map<(d0, d1) -> (0, 0, 0)>
module attributes {stable_mosaic.version = 14 : i64} {
  func.func @agg_kernel(%arg0: i32, %arg1: i32, %arg2: memref<10240x64xf32, #tpu.memory_space<hbm>>, %arg3: memref<16x160x128xi32, #tpu.memory_space<hbm>>, %arg4: memref<16x160x128xi32, #tpu.memory_space<hbm>>, %arg5: memref<128x64xf32, #tpu.memory_space<hbm>>, %arg6: memref<1x10240x64xf32, #tpu.memory_space<hbm>>, %arg7: memref<160x128xi32, #tpu.memory_space<vmem>>, %arg8: memref<160x128xi32, #tpu.memory_space<vmem>>, %arg9: memref<128x64xf32, #tpu.memory_space<vmem>>, %arg10: memref<128x64xf32, #tpu.memory_space<vmem>>, %arg11: memref<128x64xf32, #tpu.memory_space<vmem>>, %arg12: memref<128x64xf32, #tpu.memory_space<vmem>>, %arg13: memref<10240x64xf32, #tpu.memory_space<vmem_shared>>, %arg14: memref<!tpu.dma_semaphore, #tpu.memory_space<semaphore_mem>>, %arg15: memref<!tpu.dma_semaphore, #tpu.memory_space<semaphore_mem>>, %arg16: memref<!tpu.dma_semaphore, #tpu.memory_space<semaphore_mem>>, %arg17: memref<!tpu.dma_semaphore, #tpu.memory_space<semaphore_mem>>) attributes {dimension_semantics = [#tpu.dimension_semantics<core_parallel>, #tpu.dimension_semantics<subcore_parallel>], iteration_bounds = array<i64: 1, 16>, scalar_prefetch = 0 : i64, scratch_operands = 11 : i64, tpu.core_type = #tpu.core_type<sc_vector_subcore>, window_params = [{transform_indices = #map}, {transform_indices = #map1}, {transform_indices = #map1}, {transform_indices = #map}, {transform_indices = #map1}]} {
    %mul3A = arith.constant 16 : i32
    %mul3A_0 = arith.muli %arg0, %mul3A : i32
    %add3A = arith.addi %mul3A_0, %arg1 : i32
    %mul3A_1 = arith.constant 0 : i32
    %mul3A_2 = arith.muli %add3A, %mul3A_1 : i32
    "tpu.region"() ({
      %run_scoped3A = tpu.sem_alloc : memref<!tpu.dma_semaphore, #tpu.memory_space<semaphore_mem>>
      %dma_start3A_42 = arith.constant 0 : i32
      %dma_start3A_43 = arith.constant 0 : i32
      %dma_start3A_44 = tpu.memref_slice %arg3[%add3A, %dma_start3A_42, %dma_start3A_43] : memref<16x160x128xi32, #tpu.memory_space<hbm>> -> memref<1x160x128xi32, #tpu.memory_space<hbm>>
      %dma_start3A_45 = tpu.memref_squeeze %dma_start3A_44 : memref<1x160x128xi32, #tpu.memory_space<hbm>> -> memref<160x128xi32, #tpu.memory_space<hbm>>
      %dma_start3A_46 = arith.constant 0 : i32
      %dma_start3A_47 = arith.constant 0 : i32
      %dma_start3A_48 = tpu.memref_slice %arg3[%add3A, %dma_start3A_46, %dma_start3A_47] : memref<16x160x128xi32, #tpu.memory_space<hbm>> -> memref<1x160x128xi32, #tpu.memory_space<hbm>>
      %dma_start3A_49 = tpu.memref_squeeze %dma_start3A_48 : memref<1x160x128xi32, #tpu.memory_space<hbm>> -> memref<160x128xi32, #tpu.memory_space<hbm>>
      tpu.enqueue_dma source(%dma_start3A_49 : memref<160x128xi32, #tpu.memory_space<hbm>>) target(%arg7 : memref<160x128xi32, #tpu.memory_space<vmem>>) target_semaphore(%run_scoped3A : memref<!tpu.dma_semaphore, #tpu.memory_space<semaphore_mem>>)
      %dma_wait3A = arith.constant 0 : i32
      %dma_wait3A_50 = arith.constant 0 : i32
      %dma_wait3A_51 = tpu.memref_slice %arg3[%add3A, %dma_wait3A, %dma_wait3A_50] : memref<16x160x128xi32, #tpu.memory_space<hbm>> -> memref<1x160x128xi32, #tpu.memory_space<hbm>>
      %dma_wait3A_52 = tpu.memref_squeeze %dma_wait3A_51 : memref<1x160x128xi32, #tpu.memory_space<hbm>> -> memref<160x128xi32, #tpu.memory_space<hbm>>
      %dma_wait3A_53 = arith.constant 0 : i32
      %dma_wait3A_54 = arith.constant 0 : i32
      %dma_wait3A_55 = tpu.memref_slice %arg3[%add3A, %dma_wait3A_53, %dma_wait3A_54] : memref<16x160x128xi32, #tpu.memory_space<hbm>> -> memref<1x160x128xi32, #tpu.memory_space<hbm>>
      %dma_wait3A_56 = tpu.memref_squeeze %dma_wait3A_55 : memref<1x160x128xi32, #tpu.memory_space<hbm>> -> memref<160x128xi32, #tpu.memory_space<hbm>>
      tpu.wait_dma2 semaphore(%run_scoped3A : memref<!tpu.dma_semaphore, #tpu.memory_space<semaphore_mem>>) src(%dma_wait3A_56 : memref<160x128xi32, #tpu.memory_space<hbm>>) dst(%arg7 : memref<160x128xi32, #tpu.memory_space<vmem>>)
      tpu.yield
    }) : () -> ()
    "tpu.region"() ({
      %run_scoped3A = tpu.sem_alloc : memref<!tpu.dma_semaphore, #tpu.memory_space<semaphore_mem>>
      %dma_start3A_42 = arith.constant 0 : i32
      %dma_start3A_43 = arith.constant 0 : i32
      %dma_start3A_44 = tpu.memref_slice %arg4[%add3A, %dma_start3A_42, %dma_start3A_43] : memref<16x160x128xi32, #tpu.memory_space<hbm>> -> memref<1x160x128xi32, #tpu.memory_space<hbm>>
      %dma_start3A_45 = tpu.memref_squeeze %dma_start3A_44 : memref<1x160x128xi32, #tpu.memory_space<hbm>> -> memref<160x128xi32, #tpu.memory_space<hbm>>
      %dma_start3A_46 = arith.constant 0 : i32
      %dma_start3A_47 = arith.constant 0 : i32
      %dma_start3A_48 = tpu.memref_slice %arg4[%add3A, %dma_start3A_46, %dma_start3A_47] : memref<16x160x128xi32, #tpu.memory_space<hbm>> -> memref<1x160x128xi32, #tpu.memory_space<hbm>>
      %dma_start3A_49 = tpu.memref_squeeze %dma_start3A_48 : memref<1x160x128xi32, #tpu.memory_space<hbm>> -> memref<160x128xi32, #tpu.memory_space<hbm>>
      tpu.enqueue_dma source(%dma_start3A_49 : memref<160x128xi32, #tpu.memory_space<hbm>>) target(%arg8 : memref<160x128xi32, #tpu.memory_space<vmem>>) target_semaphore(%run_scoped3A : memref<!tpu.dma_semaphore, #tpu.memory_space<semaphore_mem>>)
      %dma_wait3A = arith.constant 0 : i32
      %dma_wait3A_50 = arith.constant 0 : i32
      %dma_wait3A_51 = tpu.memref_slice %arg4[%add3A, %dma_wait3A, %dma_wait3A_50] : memref<16x160x128xi32, #tpu.memory_space<hbm>> -> memref<1x160x128xi32, #tpu.memory_space<hbm>>
      %dma_wait3A_52 = tpu.memref_squeeze %dma_wait3A_51 : memref<1x160x128xi32, #tpu.memory_space<hbm>> -> memref<160x128xi32, #tpu.memory_space<hbm>>
      %dma_wait3A_53 = arith.constant 0 : i32
      %dma_wait3A_54 = arith.constant 0 : i32
      %dma_wait3A_55 = tpu.memref_slice %arg4[%add3A, %dma_wait3A_53, %dma_wait3A_54] : memref<16x160x128xi32, #tpu.memory_space<hbm>> -> memref<1x160x128xi32, #tpu.memory_space<hbm>>
      %dma_wait3A_56 = tpu.memref_squeeze %dma_wait3A_55 : memref<1x160x128xi32, #tpu.memory_space<hbm>> -> memref<160x128xi32, #tpu.memory_space<hbm>>
      tpu.wait_dma2 semaphore(%run_scoped3A : memref<!tpu.dma_semaphore, #tpu.memory_space<semaphore_mem>>) src(%dma_wait3A_56 : memref<160x128xi32, #tpu.memory_space<hbm>>) dst(%arg8 : memref<160x128xi32, #tpu.memory_space<vmem>>)
      tpu.yield
    }) : () -> ()
    %mul3A_3 = arith.constant 640 : i32
    %mul3A_4 = arith.muli %arg1, %mul3A_3 : i32
    %scan3A = arith.constant 0 : i32
    %scan3A_5 = arith.constant 5 : i32
    %scan3A_6 = arith.addi %scan3A, %scan3A_5 : i32
    %scan3A_7 = arith.constant 1 : i32
    scf.for %scan3A_42 = %scan3A to %scan3A_6 step %scan3A_7  : i32 {
      %mul3A_43 = arith.constant 1 : i32
      %mul3A_44 = arith.muli %scan3A_42, %mul3A_43 : i32
      %add3A_45 = arith.constant 0 : i32
      %add3A_46 = arith.addi %add3A_45, %mul3A_44 : i32
      %mul3A_47 = arith.constant 128 : i32
      %mul3A_48 = arith.muli %add3A_46, %mul3A_47 : i32
      %add3A_49 = arith.addi %mul3A_4, %mul3A_48 : i32
      "tpu.region"() ({
        %run_scoped3A = tpu.sem_alloc : memref<!tpu.dma_semaphore, #tpu.memory_space<semaphore_mem>>
        %dma_start3A_50 = arith.constant 0 : i32
        %dma_start3A_51 = tpu.memref_slice %arg13[%add3A_49, %dma_start3A_50] : memref<10240x64xf32, #tpu.memory_space<vmem_shared>> -> memref<128x64xf32, #tpu.memory_space<vmem_shared>>
        tpu.enqueue_dma source(%arg5 : memref<128x64xf32, #tpu.memory_space<hbm>>) target(%dma_start3A_51 : memref<128x64xf32, #tpu.memory_space<vmem_shared>>) target_semaphore(%run_scoped3A : memref<!tpu.dma_semaphore, #tpu.memory_space<semaphore_mem>>)
        %dma_wait3A = arith.constant 0 : i32
        %dma_wait3A_52 = tpu.memref_slice %arg13[%add3A_49, %dma_wait3A] : memref<10240x64xf32, #tpu.memory_space<vmem_shared>> -> memref<128x64xf32, #tpu.memory_space<vmem_shared>>
        tpu.wait_dma2 semaphore(%run_scoped3A : memref<!tpu.dma_semaphore, #tpu.memory_space<semaphore_mem>>) src(%arg5 : memref<128x64xf32, #tpu.memory_space<hbm>>) dst(%dma_wait3A_52 : memref<128x64xf32, #tpu.memory_space<vmem_shared>>)
        tpu.yield
      }) : () -> ()
    }
    %scan3A_8 = arith.constant 5 : i32
    %barrier3A = arith.constant 0 : index
    tpu.barrier barrier_id(%barrier3A)
    %dma_start3A = arith.constant 0 : i32
    %dma_start3A_9 = arith.constant 0 : i32
    %dma_start3A_10 = tpu.memref_slice %arg7[%dma_start3A, %dma_start3A_9] : memref<160x128xi32, #tpu.memory_space<vmem>> -> memref<1x128xi32, #tpu.memory_space<vmem>>
    %dma_start3A_11 = tpu.memref_squeeze %dma_start3A_10 : memref<1x128xi32, #tpu.memory_space<vmem>> -> memref<128xi32, #tpu.memory_space<vmem>>
    %dma_start3A_12 = arith.constant 0 : i32
    %dma_start3A_13 = arith.constant 0 : i32
    %dma_start3A_14 = tpu.memref_slice %arg2[%dma_start3A_12, %dma_start3A_13] : memref<10240x64xf32, #tpu.memory_space<hbm>> -> memref<10240x64xf32, #tpu.memory_space<hbm>>
    tpu.enqueue_indirect_dma source(%dma_start3A_14 : memref<10240x64xf32, #tpu.memory_space<hbm>>) target(%arg9 : memref<128x64xf32, #tpu.memory_space<vmem>>) offsets(%dma_start3A_11 : memref<128xi32, #tpu.memory_space<vmem>>) semaphore(%arg14 : memref<!tpu.dma_semaphore, #tpu.memory_space<semaphore_mem>>)
    %dma_start3A_15 = arith.constant 1 : i32
    %dma_start3A_16 = arith.constant 0 : i32
    %dma_start3A_17 = tpu.memref_slice %arg7[%dma_start3A_15, %dma_start3A_16] : memref<160x128xi32, #tpu.memory_space<vmem>> -> memref<1x128xi32, #tpu.memory_space<vmem>>
    %dma_start3A_18 = tpu.memref_squeeze %dma_start3A_17 : memref<1x128xi32, #tpu.memory_space<vmem>> -> memref<128xi32, #tpu.memory_space<vmem>>
    %dma_start3A_19 = arith.constant 0 : i32
    %dma_start3A_20 = arith.constant 0 : i32
    %dma_start3A_21 = tpu.memref_slice %arg2[%dma_start3A_19, %dma_start3A_20] : memref<10240x64xf32, #tpu.memory_space<hbm>> -> memref<10240x64xf32, #tpu.memory_space<hbm>>
    tpu.enqueue_indirect_dma source(%dma_start3A_21 : memref<10240x64xf32, #tpu.memory_space<hbm>>) target(%arg10 : memref<128x64xf32, #tpu.memory_space<vmem>>) offsets(%dma_start3A_18 : memref<128xi32, #tpu.memory_space<vmem>>) semaphore(%arg15 : memref<!tpu.dma_semaphore, #tpu.memory_space<semaphore_mem>>)
    %dma_start3A_22 = arith.constant 2 : i32
    %dma_start3A_23 = arith.constant 0 : i32
    %dma_start3A_24 = tpu.memref_slice %arg7[%dma_start3A_22, %dma_start3A_23] : memref<160x128xi32, #tpu.memory_space<vmem>> -> memref<1x128xi32, #tpu.memory_space<vmem>>
    %dma_start3A_25 = tpu.memref_squeeze %dma_start3A_24 : memref<1x128xi32, #tpu.memory_space<vmem>> -> memref<128xi32, #tpu.memory_space<vmem>>
    %dma_start3A_26 = arith.constant 0 : i32
    %dma_start3A_27 = arith.constant 0 : i32
    %dma_start3A_28 = tpu.memref_slice %arg2[%dma_start3A_26, %dma_start3A_27] : memref<10240x64xf32, #tpu.memory_space<hbm>> -> memref<10240x64xf32, #tpu.memory_space<hbm>>
    tpu.enqueue_indirect_dma source(%dma_start3A_28 : memref<10240x64xf32, #tpu.memory_space<hbm>>) target(%arg11 : memref<128x64xf32, #tpu.memory_space<vmem>>) offsets(%dma_start3A_25 : memref<128xi32, #tpu.memory_space<vmem>>) semaphore(%arg16 : memref<!tpu.dma_semaphore, #tpu.memory_space<semaphore_mem>>)
    %dma_start3A_29 = arith.constant 3 : i32
    %dma_start3A_30 = arith.constant 0 : i32
    %dma_start3A_31 = tpu.memref_slice %arg7[%dma_start3A_29, %dma_start3A_30] : memref<160x128xi32, #tpu.memory_space<vmem>> -> memref<1x128xi32, #tpu.memory_space<vmem>>
    %dma_start3A_32 = tpu.memref_squeeze %dma_start3A_31 : memref<1x128xi32, #tpu.memory_space<vmem>> -> memref<128xi32, #tpu.memory_space<vmem>>
    %dma_start3A_33 = arith.constant 0 : i32
    %dma_start3A_34 = arith.constant 0 : i32
    %dma_start3A_35 = tpu.memref_slice %arg2[%dma_start3A_33, %dma_start3A_34] : memref<10240x64xf32, #tpu.memory_space<hbm>> -> memref<10240x64xf32, #tpu.memory_space<hbm>>
    tpu.enqueue_indirect_dma source(%dma_start3A_35 : memref<10240x64xf32, #tpu.memory_space<hbm>>) target(%arg12 : memref<128x64xf32, #tpu.memory_space<vmem>>) offsets(%dma_start3A_32 : memref<128xi32, #tpu.memory_space<vmem>>) semaphore(%arg17 : memref<!tpu.dma_semaphore, #tpu.memory_space<semaphore_mem>>)
    %scan3A_36 = arith.constant 0 : i32
    %scan3A_37 = arith.constant 40 : i32
    %scan3A_38 = arith.addi %scan3A_36, %scan3A_37 : i32
    %scan3A_39 = arith.constant 1 : i32
    scf.for %scan3A_42 = %scan3A_36 to %scan3A_38 step %scan3A_39  : i32 {
      %mul3A_43 = arith.constant 4 : i32
      %mul3A_44 = arith.muli %scan3A_42, %mul3A_43 : i32
      %add3A_45 = arith.constant 0 : i32
      %add3A_46 = arith.addi %add3A_45, %mul3A_44 : i32
      %add3A_47 = arith.constant 0 : i32
      %add3A_48 = arith.addi %add3A_46, %add3A_47 : i32
      %dma_wait3A = arith.constant 0 : i32
      %dma_wait3A_49 = tpu.memref_slice %arg7[%add3A_48, %dma_wait3A] : memref<160x128xi32, #tpu.memory_space<vmem>> -> memref<1x128xi32, #tpu.memory_space<vmem>>
      %dma_wait3A_50 = tpu.memref_squeeze %dma_wait3A_49 : memref<1x128xi32, #tpu.memory_space<vmem>> -> memref<128xi32, #tpu.memory_space<vmem>>
      %dma_wait3A_51 = arith.constant 0 : i32
      %dma_wait3A_52 = arith.constant 0 : i32
      %dma_wait3A_53 = tpu.memref_slice %arg2[%dma_wait3A_51, %dma_wait3A_52] : memref<10240x64xf32, #tpu.memory_space<hbm>> -> memref<10240x64xf32, #tpu.memory_space<hbm>>
      tpu.wait_indirect_dma semaphore(%arg14 : memref<!tpu.dma_semaphore, #tpu.memory_space<semaphore_mem>>) src(%dma_wait3A_53 : memref<10240x64xf32, #tpu.memory_space<hbm>>) dst(%arg9 : memref<128x64xf32, #tpu.memory_space<vmem>>)
      %add3A_54 = arith.constant 0 : i32
      %add3A_55 = arith.addi %add3A_46, %add3A_54 : i32
      "tpu.region"() ({
        %run_scoped3A = tpu.sem_alloc : memref<!tpu.dma_semaphore, #tpu.memory_space<semaphore_mem>>
        %dma_start3A_119 = arith.constant 0 : i32
        %dma_start3A_120 = tpu.memref_slice %arg8[%add3A_55, %dma_start3A_119] : memref<160x128xi32, #tpu.memory_space<vmem>> -> memref<1x128xi32, #tpu.memory_space<vmem>>
        %dma_start3A_121 = tpu.memref_squeeze %dma_start3A_120 : memref<1x128xi32, #tpu.memory_space<vmem>> -> memref<128xi32, #tpu.memory_space<vmem>>
        %dma_start3A_122 = arith.constant 0 : i32
        %dma_start3A_123 = arith.constant 0 : i32
        %dma_start3A_124 = tpu.memref_slice %arg13[%dma_start3A_122, %dma_start3A_123] : memref<10240x64xf32, #tpu.memory_space<vmem_shared>> -> memref<10240x64xf32, #tpu.memory_space<vmem_shared>>
        tpu.enqueue_indirect_dma source(%arg9 : memref<128x64xf32, #tpu.memory_space<vmem>>) target(%dma_start3A_124 : memref<10240x64xf32, #tpu.memory_space<vmem_shared>>) offsets(%dma_start3A_121 : memref<128xi32, #tpu.memory_space<vmem>>) semaphore(%run_scoped3A : memref<!tpu.dma_semaphore, #tpu.memory_space<semaphore_mem>>) {add = true}
        %dma_wait3A_125 = arith.constant 0 : i32
        %dma_wait3A_126 = tpu.memref_slice %arg8[%add3A_55, %dma_wait3A_125] : memref<160x128xi32, #tpu.memory_space<vmem>> -> memref<1x128xi32, #tpu.memory_space<vmem>>
        %dma_wait3A_127 = tpu.memref_squeeze %dma_wait3A_126 : memref<1x128xi32, #tpu.memory_space<vmem>> -> memref<128xi32, #tpu.memory_space<vmem>>
        %dma_wait3A_128 = arith.constant 0 : i32
        %dma_wait3A_129 = arith.constant 0 : i32
        %dma_wait3A_130 = tpu.memref_slice %arg13[%dma_wait3A_128, %dma_wait3A_129] : memref<10240x64xf32, #tpu.memory_space<vmem_shared>> -> memref<10240x64xf32, #tpu.memory_space<vmem_shared>>
        tpu.wait_indirect_dma semaphore(%run_scoped3A : memref<!tpu.dma_semaphore, #tpu.memory_space<semaphore_mem>>) src(%arg9 : memref<128x64xf32, #tpu.memory_space<vmem>>) dst(%dma_wait3A_130 : memref<10240x64xf32, #tpu.memory_space<vmem_shared>>)
        tpu.yield
      }) : () -> ()
      %add3A_56 = arith.constant 0 : i32
      %add3A_57 = arith.addi %add3A_46, %add3A_56 : i32
      %add3A_58 = arith.constant 4 : i32
      %add3A_59 = arith.addi %add3A_57, %add3A_58 : i32
      %lt3A = arith.constant 160 : i32
      %lt3A_60 = arith.cmpi slt, %add3A_59, %lt3A : i32
      %convert_element_type3A = arith.extui %lt3A_60 : i1 to i32
      %cond3A = arith.constant 0 : i32
      %cond3A_61 = arith.cmpi ne, %convert_element_type3A, %cond3A : i32
      scf.if %cond3A_61 {
        %add3A_119 = arith.constant 0 : i32
        %add3A_120 = arith.addi %add3A_46, %add3A_119 : i32
        %add3A_121 = arith.constant 4 : i32
        %add3A_122 = arith.addi %add3A_120, %add3A_121 : i32
        %dma_start3A_123 = arith.constant 0 : i32
        %dma_start3A_124 = tpu.memref_slice %arg7[%add3A_122, %dma_start3A_123] : memref<160x128xi32, #tpu.memory_space<vmem>> -> memref<1x128xi32, #tpu.memory_space<vmem>>
        %dma_start3A_125 = tpu.memref_squeeze %dma_start3A_124 : memref<1x128xi32, #tpu.memory_space<vmem>> -> memref<128xi32, #tpu.memory_space<vmem>>
        %dma_start3A_126 = arith.constant 0 : i32
        %dma_start3A_127 = arith.constant 0 : i32
        %dma_start3A_128 = tpu.memref_slice %arg2[%dma_start3A_126, %dma_start3A_127] : memref<10240x64xf32, #tpu.memory_space<hbm>> -> memref<10240x64xf32, #tpu.memory_space<hbm>>
        tpu.enqueue_indirect_dma source(%dma_start3A_128 : memref<10240x64xf32, #tpu.memory_space<hbm>>) target(%arg9 : memref<128x64xf32, #tpu.memory_space<vmem>>) offsets(%dma_start3A_125 : memref<128xi32, #tpu.memory_space<vmem>>) semaphore(%arg14 : memref<!tpu.dma_semaphore, #tpu.memory_space<semaphore_mem>>)
      } else {
      }
      %add3A_62 = arith.constant 1 : i32
      %add3A_63 = arith.addi %add3A_46, %add3A_62 : i32
      %dma_wait3A_64 = arith.constant 0 : i32
      %dma_wait3A_65 = tpu.memref_slice %arg7[%add3A_63, %dma_wait3A_64] : memref<160x128xi32, #tpu.memory_space<vmem>> -> memref<1x128xi32, #tpu.memory_space<vmem>>
      %dma_wait3A_66 = tpu.memref_squeeze %dma_wait3A_65 : memref<1x128xi32, #tpu.memory_space<vmem>> -> memref<128xi32, #tpu.memory_space<vmem>>
      %dma_wait3A_67 = arith.constant 0 : i32
      %dma_wait3A_68 = arith.constant 0 : i32
      %dma_wait3A_69 = tpu.memref_slice %arg2[%dma_wait3A_67, %dma_wait3A_68] : memref<10240x64xf32, #tpu.memory_space<hbm>> -> memref<10240x64xf32, #tpu.memory_space<hbm>>
      tpu.wait_indirect_dma semaphore(%arg15 : memref<!tpu.dma_semaphore, #tpu.memory_space<semaphore_mem>>) src(%dma_wait3A_69 : memref<10240x64xf32, #tpu.memory_space<hbm>>) dst(%arg10 : memref<128x64xf32, #tpu.memory_space<vmem>>)
      %add3A_70 = arith.constant 1 : i32
      %add3A_71 = arith.addi %add3A_46, %add3A_70 : i32
      "tpu.region"() ({
        %run_scoped3A = tpu.sem_alloc : memref<!tpu.dma_semaphore, #tpu.memory_space<semaphore_mem>>
        %dma_start3A_119 = arith.constant 0 : i32
        %dma_start3A_120 = tpu.memref_slice %arg8[%add3A_71, %dma_start3A_119] : memref<160x128xi32, #tpu.memory_space<vmem>> -> memref<1x128xi32, #tpu.memory_space<vmem>>
        %dma_start3A_121 = tpu.memref_squeeze %dma_start3A_120 : memref<1x128xi32, #tpu.memory_space<vmem>> -> memref<128xi32, #tpu.memory_space<vmem>>
        %dma_start3A_122 = arith.constant 0 : i32
        %dma_start3A_123 = arith.constant 0 : i32
        %dma_start3A_124 = tpu.memref_slice %arg13[%dma_start3A_122, %dma_start3A_123] : memref<10240x64xf32, #tpu.memory_space<vmem_shared>> -> memref<10240x64xf32, #tpu.memory_space<vmem_shared>>
        tpu.enqueue_indirect_dma source(%arg10 : memref<128x64xf32, #tpu.memory_space<vmem>>) target(%dma_start3A_124 : memref<10240x64xf32, #tpu.memory_space<vmem_shared>>) offsets(%dma_start3A_121 : memref<128xi32, #tpu.memory_space<vmem>>) semaphore(%run_scoped3A : memref<!tpu.dma_semaphore, #tpu.memory_space<semaphore_mem>>) {add = true}
        %dma_wait3A_125 = arith.constant 0 : i32
        %dma_wait3A_126 = tpu.memref_slice %arg8[%add3A_71, %dma_wait3A_125] : memref<160x128xi32, #tpu.memory_space<vmem>> -> memref<1x128xi32, #tpu.memory_space<vmem>>
        %dma_wait3A_127 = tpu.memref_squeeze %dma_wait3A_126 : memref<1x128xi32, #tpu.memory_space<vmem>> -> memref<128xi32, #tpu.memory_space<vmem>>
        %dma_wait3A_128 = arith.constant 0 : i32
        %dma_wait3A_129 = arith.constant 0 : i32
        %dma_wait3A_130 = tpu.memref_slice %arg13[%dma_wait3A_128, %dma_wait3A_129] : memref<10240x64xf32, #tpu.memory_space<vmem_shared>> -> memref<10240x64xf32, #tpu.memory_space<vmem_shared>>
        tpu.wait_indirect_dma semaphore(%run_scoped3A : memref<!tpu.dma_semaphore, #tpu.memory_space<semaphore_mem>>) src(%arg10 : memref<128x64xf32, #tpu.memory_space<vmem>>) dst(%dma_wait3A_130 : memref<10240x64xf32, #tpu.memory_space<vmem_shared>>)
        tpu.yield
      }) : () -> ()
      %add3A_72 = arith.constant 1 : i32
      %add3A_73 = arith.addi %add3A_46, %add3A_72 : i32
      %add3A_74 = arith.constant 4 : i32
      %add3A_75 = arith.addi %add3A_73, %add3A_74 : i32
      %lt3A_76 = arith.constant 160 : i32
      %lt3A_77 = arith.cmpi slt, %add3A_75, %lt3A_76 : i32
      %convert_element_type3A_78 = arith.extui %lt3A_77 : i1 to i32
      %cond3A_79 = arith.constant 0 : i32
      %cond3A_80 = arith.cmpi ne, %convert_element_type3A_78, %cond3A_79 : i32
      scf.if %cond3A_80 {
        %add3A_119 = arith.constant 1 : i32
        %add3A_120 = arith.addi %add3A_46, %add3A_119 : i32
        %add3A_121 = arith.constant 4 : i32
        %add3A_122 = arith.addi %add3A_120, %add3A_121 : i32
        %dma_start3A_123 = arith.constant 0 : i32
        %dma_start3A_124 = tpu.memref_slice %arg7[%add3A_122, %dma_start3A_123] : memref<160x128xi32, #tpu.memory_space<vmem>> -> memref<1x128xi32, #tpu.memory_space<vmem>>
        %dma_start3A_125 = tpu.memref_squeeze %dma_start3A_124 : memref<1x128xi32, #tpu.memory_space<vmem>> -> memref<128xi32, #tpu.memory_space<vmem>>
        %dma_start3A_126 = arith.constant 0 : i32
        %dma_start3A_127 = arith.constant 0 : i32
        %dma_start3A_128 = tpu.memref_slice %arg2[%dma_start3A_126, %dma_start3A_127] : memref<10240x64xf32, #tpu.memory_space<hbm>> -> memref<10240x64xf32, #tpu.memory_space<hbm>>
        tpu.enqueue_indirect_dma source(%dma_start3A_128 : memref<10240x64xf32, #tpu.memory_space<hbm>>) target(%arg10 : memref<128x64xf32, #tpu.memory_space<vmem>>) offsets(%dma_start3A_125 : memref<128xi32, #tpu.memory_space<vmem>>) semaphore(%arg15 : memref<!tpu.dma_semaphore, #tpu.memory_space<semaphore_mem>>)
      } else {
      }
      %add3A_81 = arith.constant 2 : i32
      %add3A_82 = arith.addi %add3A_46, %add3A_81 : i32
      %dma_wait3A_83 = arith.constant 0 : i32
      %dma_wait3A_84 = tpu.memref_slice %arg7[%add3A_82, %dma_wait3A_83] : memref<160x128xi32, #tpu.memory_space<vmem>> -> memref<1x128xi32, #tpu.memory_space<vmem>>
      %dma_wait3A_85 = tpu.memref_squeeze %dma_wait3A_84 : memref<1x128xi32, #tpu.memory_space<vmem>> -> memref<128xi32, #tpu.memory_space<vmem>>
      %dma_wait3A_86 = arith.constant 0 : i32
      %dma_wait3A_87 = arith.constant 0 : i32
      %dma_wait3A_88 = tpu.memref_slice %arg2[%dma_wait3A_86, %dma_wait3A_87] : memref<10240x64xf32, #tpu.memory_space<hbm>> -> memref<10240x64xf32, #tpu.memory_space<hbm>>
      tpu.wait_indirect_dma semaphore(%arg16 : memref<!tpu.dma_semaphore, #tpu.memory_space<semaphore_mem>>) src(%dma_wait3A_88 : memref<10240x64xf32, #tpu.memory_space<hbm>>) dst(%arg11 : memref<128x64xf32, #tpu.memory_space<vmem>>)
      %add3A_89 = arith.constant 2 : i32
      %add3A_90 = arith.addi %add3A_46, %add3A_89 : i32
      "tpu.region"() ({
        %run_scoped3A = tpu.sem_alloc : memref<!tpu.dma_semaphore, #tpu.memory_space<semaphore_mem>>
        %dma_start3A_119 = arith.constant 0 : i32
        %dma_start3A_120 = tpu.memref_slice %arg8[%add3A_90, %dma_start3A_119] : memref<160x128xi32, #tpu.memory_space<vmem>> -> memref<1x128xi32, #tpu.memory_space<vmem>>
        %dma_start3A_121 = tpu.memref_squeeze %dma_start3A_120 : memref<1x128xi32, #tpu.memory_space<vmem>> -> memref<128xi32, #tpu.memory_space<vmem>>
        %dma_start3A_122 = arith.constant 0 : i32
        %dma_start3A_123 = arith.constant 0 : i32
        %dma_start3A_124 = tpu.memref_slice %arg13[%dma_start3A_122, %dma_start3A_123] : memref<10240x64xf32, #tpu.memory_space<vmem_shared>> -> memref<10240x64xf32, #tpu.memory_space<vmem_shared>>
        tpu.enqueue_indirect_dma source(%arg11 : memref<128x64xf32, #tpu.memory_space<vmem>>) target(%dma_start3A_124 : memref<10240x64xf32, #tpu.memory_space<vmem_shared>>) offsets(%dma_start3A_121 : memref<128xi32, #tpu.memory_space<vmem>>) semaphore(%run_scoped3A : memref<!tpu.dma_semaphore, #tpu.memory_space<semaphore_mem>>) {add = true}
        %dma_wait3A_125 = arith.constant 0 : i32
        %dma_wait3A_126 = tpu.memref_slice %arg8[%add3A_90, %dma_wait3A_125] : memref<160x128xi32, #tpu.memory_space<vmem>> -> memref<1x128xi32, #tpu.memory_space<vmem>>
        %dma_wait3A_127 = tpu.memref_squeeze %dma_wait3A_126 : memref<1x128xi32, #tpu.memory_space<vmem>> -> memref<128xi32, #tpu.memory_space<vmem>>
        %dma_wait3A_128 = arith.constant 0 : i32
        %dma_wait3A_129 = arith.constant 0 : i32
        %dma_wait3A_130 = tpu.memref_slice %arg13[%dma_wait3A_128, %dma_wait3A_129] : memref<10240x64xf32, #tpu.memory_space<vmem_shared>> -> memref<10240x64xf32, #tpu.memory_space<vmem_shared>>
        tpu.wait_indirect_dma semaphore(%run_scoped3A : memref<!tpu.dma_semaphore, #tpu.memory_space<semaphore_mem>>) src(%arg11 : memref<128x64xf32, #tpu.memory_space<vmem>>) dst(%dma_wait3A_130 : memref<10240x64xf32, #tpu.memory_space<vmem_shared>>)
        tpu.yield
      }) : () -> ()
      %add3A_91 = arith.constant 2 : i32
      %add3A_92 = arith.addi %add3A_46, %add3A_91 : i32
      %add3A_93 = arith.constant 4 : i32
      %add3A_94 = arith.addi %add3A_92, %add3A_93 : i32
      %lt3A_95 = arith.constant 160 : i32
      %lt3A_96 = arith.cmpi slt, %add3A_94, %lt3A_95 : i32
      %convert_element_type3A_97 = arith.extui %lt3A_96 : i1 to i32
      %cond3A_98 = arith.constant 0 : i32
      %cond3A_99 = arith.cmpi ne, %convert_element_type3A_97, %cond3A_98 : i32
      scf.if %cond3A_99 {
        %add3A_119 = arith.constant 2 : i32
        %add3A_120 = arith.addi %add3A_46, %add3A_119 : i32
        %add3A_121 = arith.constant 4 : i32
        %add3A_122 = arith.addi %add3A_120, %add3A_121 : i32
        %dma_start3A_123 = arith.constant 0 : i32
        %dma_start3A_124 = tpu.memref_slice %arg7[%add3A_122, %dma_start3A_123] : memref<160x128xi32, #tpu.memory_space<vmem>> -> memref<1x128xi32, #tpu.memory_space<vmem>>
        %dma_start3A_125 = tpu.memref_squeeze %dma_start3A_124 : memref<1x128xi32, #tpu.memory_space<vmem>> -> memref<128xi32, #tpu.memory_space<vmem>>
        %dma_start3A_126 = arith.constant 0 : i32
        %dma_start3A_127 = arith.constant 0 : i32
        %dma_start3A_128 = tpu.memref_slice %arg2[%dma_start3A_126, %dma_start3A_127] : memref<10240x64xf32, #tpu.memory_space<hbm>> -> memref<10240x64xf32, #tpu.memory_space<hbm>>
        tpu.enqueue_indirect_dma source(%dma_start3A_128 : memref<10240x64xf32, #tpu.memory_space<hbm>>) target(%arg11 : memref<128x64xf32, #tpu.memory_space<vmem>>) offsets(%dma_start3A_125 : memref<128xi32, #tpu.memory_space<vmem>>) semaphore(%arg16 : memref<!tpu.dma_semaphore, #tpu.memory_space<semaphore_mem>>)
      } else {
      }
      %add3A_100 = arith.constant 3 : i32
      %add3A_101 = arith.addi %add3A_46, %add3A_100 : i32
      %dma_wait3A_102 = arith.constant 0 : i32
      %dma_wait3A_103 = tpu.memref_slice %arg7[%add3A_101, %dma_wait3A_102] : memref<160x128xi32, #tpu.memory_space<vmem>> -> memref<1x128xi32, #tpu.memory_space<vmem>>
      %dma_wait3A_104 = tpu.memref_squeeze %dma_wait3A_103 : memref<1x128xi32, #tpu.memory_space<vmem>> -> memref<128xi32, #tpu.memory_space<vmem>>
      %dma_wait3A_105 = arith.constant 0 : i32
      %dma_wait3A_106 = arith.constant 0 : i32
      %dma_wait3A_107 = tpu.memref_slice %arg2[%dma_wait3A_105, %dma_wait3A_106] : memref<10240x64xf32, #tpu.memory_space<hbm>> -> memref<10240x64xf32, #tpu.memory_space<hbm>>
      tpu.wait_indirect_dma semaphore(%arg17 : memref<!tpu.dma_semaphore, #tpu.memory_space<semaphore_mem>>) src(%dma_wait3A_107 : memref<10240x64xf32, #tpu.memory_space<hbm>>) dst(%arg12 : memref<128x64xf32, #tpu.memory_space<vmem>>)
      %add3A_108 = arith.constant 3 : i32
      %add3A_109 = arith.addi %add3A_46, %add3A_108 : i32
      "tpu.region"() ({
        %run_scoped3A = tpu.sem_alloc : memref<!tpu.dma_semaphore, #tpu.memory_space<semaphore_mem>>
        %dma_start3A_119 = arith.constant 0 : i32
        %dma_start3A_120 = tpu.memref_slice %arg8[%add3A_109, %dma_start3A_119] : memref<160x128xi32, #tpu.memory_space<vmem>> -> memref<1x128xi32, #tpu.memory_space<vmem>>
        %dma_start3A_121 = tpu.memref_squeeze %dma_start3A_120 : memref<1x128xi32, #tpu.memory_space<vmem>> -> memref<128xi32, #tpu.memory_space<vmem>>
        %dma_start3A_122 = arith.constant 0 : i32
        %dma_start3A_123 = arith.constant 0 : i32
        %dma_start3A_124 = tpu.memref_slice %arg13[%dma_start3A_122, %dma_start3A_123] : memref<10240x64xf32, #tpu.memory_space<vmem_shared>> -> memref<10240x64xf32, #tpu.memory_space<vmem_shared>>
        tpu.enqueue_indirect_dma source(%arg12 : memref<128x64xf32, #tpu.memory_space<vmem>>) target(%dma_start3A_124 : memref<10240x64xf32, #tpu.memory_space<vmem_shared>>) offsets(%dma_start3A_121 : memref<128xi32, #tpu.memory_space<vmem>>) semaphore(%run_scoped3A : memref<!tpu.dma_semaphore, #tpu.memory_space<semaphore_mem>>) {add = true}
        %dma_wait3A_125 = arith.constant 0 : i32
        %dma_wait3A_126 = tpu.memref_slice %arg8[%add3A_109, %dma_wait3A_125] : memref<160x128xi32, #tpu.memory_space<vmem>> -> memref<1x128xi32, #tpu.memory_space<vmem>>
        %dma_wait3A_127 = tpu.memref_squeeze %dma_wait3A_126 : memref<1x128xi32, #tpu.memory_space<vmem>> -> memref<128xi32, #tpu.memory_space<vmem>>
        %dma_wait3A_128 = arith.constant 0 : i32
        %dma_wait3A_129 = arith.constant 0 : i32
        %dma_wait3A_130 = tpu.memref_slice %arg13[%dma_wait3A_128, %dma_wait3A_129] : memref<10240x64xf32, #tpu.memory_space<vmem_shared>> -> memref<10240x64xf32, #tpu.memory_space<vmem_shared>>
        tpu.wait_indirect_dma semaphore(%run_scoped3A : memref<!tpu.dma_semaphore, #tpu.memory_space<semaphore_mem>>) src(%arg12 : memref<128x64xf32, #tpu.memory_space<vmem>>) dst(%dma_wait3A_130 : memref<10240x64xf32, #tpu.memory_space<vmem_shared>>)
        tpu.yield
      }) : () -> ()
      %add3A_110 = arith.constant 3 : i32
      %add3A_111 = arith.addi %add3A_46, %add3A_110 : i32
      %add3A_112 = arith.constant 4 : i32
      %add3A_113 = arith.addi %add3A_111, %add3A_112 : i32
      %lt3A_114 = arith.constant 160 : i32
      %lt3A_115 = arith.cmpi slt, %add3A_113, %lt3A_114 : i32
      %convert_element_type3A_116 = arith.extui %lt3A_115 : i1 to i32
      %cond3A_117 = arith.constant 0 : i32
      %cond3A_118 = arith.cmpi ne, %convert_element_type3A_116, %cond3A_117 : i32
      scf.if %cond3A_118 {
        %add3A_119 = arith.constant 3 : i32
        %add3A_120 = arith.addi %add3A_46, %add3A_119 : i32
        %add3A_121 = arith.constant 4 : i32
        %add3A_122 = arith.addi %add3A_120, %add3A_121 : i32
        %dma_start3A_123 = arith.constant 0 : i32
        %dma_start3A_124 = tpu.memref_slice %arg7[%add3A_122, %dma_start3A_123] : memref<160x128xi32, #tpu.memory_space<vmem>> -> memref<1x128xi32, #tpu.memory_space<vmem>>
        %dma_start3A_125 = tpu.memref_squeeze %dma_start3A_124 : memref<1x128xi32, #tpu.memory_space<vmem>> -> memref<128xi32, #tpu.memory_space<vmem>>
        %dma_start3A_126 = arith.constant 0 : i32
        %dma_start3A_127 = arith.constant 0 : i32
        %dma_start3A_128 = tpu.memref_slice %arg2[%dma_start3A_126, %dma_start3A_127] : memref<10240x64xf32, #tpu.memory_space<hbm>> -> memref<10240x64xf32, #tpu.memory_space<hbm>>
        tpu.enqueue_indirect_dma source(%dma_start3A_128 : memref<10240x64xf32, #tpu.memory_space<hbm>>) target(%arg12 : memref<128x64xf32, #tpu.memory_space<vmem>>) offsets(%dma_start3A_125 : memref<128xi32, #tpu.memory_space<vmem>>) semaphore(%arg17 : memref<!tpu.dma_semaphore, #tpu.memory_space<semaphore_mem>>)
      } else {
      }
    }
    %scan3A_40 = arith.constant 40 : i32
    %barrier3A_41 = arith.constant 0 : index
    tpu.barrier barrier_id(%barrier3A_41)
    "tpu.region"() ({
      %run_scoped3A = tpu.sem_alloc : memref<!tpu.dma_semaphore, #tpu.memory_space<semaphore_mem>>
      %dma_start3A_42 = arith.constant 0 : i32
      %dma_start3A_43 = tpu.memref_slice %arg6[%arg0, %mul3A_4, %dma_start3A_42] : memref<1x10240x64xf32, #tpu.memory_space<hbm>> -> memref<1x640x64xf32, #tpu.memory_space<hbm>>
      %dma_start3A_44 = tpu.memref_squeeze %dma_start3A_43 : memref<1x640x64xf32, #tpu.memory_space<hbm>> -> memref<640x64xf32, #tpu.memory_space<hbm>>
      %dma_start3A_45 = arith.constant 0 : i32
      %dma_start3A_46 = tpu.memref_slice %arg13[%mul3A_4, %dma_start3A_45] : memref<10240x64xf32, #tpu.memory_space<vmem_shared>> -> memref<640x64xf32, #tpu.memory_space<vmem_shared>>
      tpu.enqueue_dma source(%dma_start3A_46 : memref<640x64xf32, #tpu.memory_space<vmem_shared>>) target(%dma_start3A_44 : memref<640x64xf32, #tpu.memory_space<hbm>>) target_semaphore(%run_scoped3A : memref<!tpu.dma_semaphore, #tpu.memory_space<semaphore_mem>>)
      %dma_wait3A = arith.constant 0 : i32
      %dma_wait3A_47 = tpu.memref_slice %arg6[%arg0, %mul3A_4, %dma_wait3A] : memref<1x10240x64xf32, #tpu.memory_space<hbm>> -> memref<1x640x64xf32, #tpu.memory_space<hbm>>
      %dma_wait3A_48 = tpu.memref_squeeze %dma_wait3A_47 : memref<1x640x64xf32, #tpu.memory_space<hbm>> -> memref<640x64xf32, #tpu.memory_space<hbm>>
      %dma_wait3A_49 = arith.constant 0 : i32
      %dma_wait3A_50 = tpu.memref_slice %arg13[%mul3A_4, %dma_wait3A_49] : memref<10240x64xf32, #tpu.memory_space<vmem_shared>> -> memref<640x64xf32, #tpu.memory_space<vmem_shared>>
      tpu.wait_dma2 semaphore(%run_scoped3A : memref<!tpu.dma_semaphore, #tpu.memory_space<semaphore_mem>>) src(%dma_wait3A_50 : memref<640x64xf32, #tpu.memory_space<vmem_shared>>) dst(%dma_wait3A_48 : memref<640x64xf32, #tpu.memory_space<hbm>>)
      tpu.yield
    }) : () -> ()
    return
  }
}

module attributes {stable_mosaic.version = 14 : i64} {
  func.func @_matmul_body(%arg0: i32, %arg1: memref<512x128xf32, #tpu.memory_space<vmem>>, %arg2: memref<128x64xf32, #tpu.memory_space<vmem>>, %arg3: memref<512x64xf32, #tpu.memory_space<vmem>>) attributes {dimension_semantics = [#tpu.dimension_semantics<arbitrary>], iteration_bounds = array<i64: 20>, scalar_prefetch = 0 : i64, scratch_operands = 0 : i64, tpu.core_type = #tpu.core_type<tc>, window_params = [{transform_indices = @transform_0, window_bounds = array<i64: 512, 128>}, {pipeline_mode = #tpu.pipeline_mode<synchronous>, transform_indices = @transform_1, window_bounds = array<i64: 128, 64>}, {transform_indices = @transform_2, window_bounds = array<i64: 512, 64>}]} {
    %get3A = arith.constant 0 : index
    %get3A_0 = arith.constant 0 : index
    %get3A_1 = vector.load %arg1[%get3A, %get3A_0] : memref<512x128xf32, #tpu.memory_space<vmem>>, vector<512x128xf32>
    %get3A_2 = arith.constant 0 : index
    %get3A_3 = arith.constant 0 : index
    %get3A_4 = vector.load %arg2[%get3A_2, %get3A_3] : memref<128x64xf32, #tpu.memory_space<vmem>>, vector<128x64xf32>
    %dot_general3A = arith.constant dense<0.000000e+00> : vector<512x64xf32>
    %dot_general3A_5 = tpu.matmul %get3A_1, %get3A_4, %dot_general3A {dimension_numbers = #tpu.dot_dimension_numbers<[1], [0], [0], [1], [0, 0, 1, 1], [], []>, transpose_lhs_hint = false} : vector<512x128xf32>, vector<128x64xf32>, vector<512x64xf32> -> vector<512x64xf32>
    %swap3A = arith.constant 0 : index
    %swap3A_6 = arith.constant 0 : index
    %swap3A_7 = vector.load %arg3[%swap3A, %swap3A_6] : memref<512x64xf32, #tpu.memory_space<vmem>>, vector<512x64xf32>
    tpu.vector_store %arg3[%swap3A, %swap3A_6], %dot_general3A_5 {strides = array<i32>} : memref<512x64xf32, #tpu.memory_space<vmem>>, vector<512x64xf32>,
    return
  }
  func.func @transform_0(%arg0: i32) -> (i32, i32) {
    %c0_i32 = arith.constant 0 : i32
    %c0_i32_0 = arith.constant 0 : i32
    return %arg0, %c0_i32 : i32, i32
  }
  func.func @transform_1(%arg0: i32) -> (i32, i32) {
    %c0_i32 = arith.constant 0 : i32
    %c0_i32_0 = arith.constant 0 : i32
    %c0_i32_1 = arith.constant 0 : i32
    return %c0_i32, %c0_i32_0 : i32, i32
  }
  func.func @transform_2(%arg0: i32) -> (i32, i32) {
    %c0_i32 = arith.constant 0 : i32
    %c0_i32_0 = arith.constant 0 : i32
    return %arg0, %c0_i32 : i32, i32
  }
}

module attributes {stable_mosaic.version = 14 : i64} {
  func.func @_scale_body(%arg0: i32, %arg1: memref<1x512x16xf32, #tpu.memory_space<vmem>>, %arg2: memref<512x64xf32, #tpu.memory_space<vmem>>, %arg3: memref<512x64xf32, #tpu.memory_space<vmem>>) attributes {dimension_semantics = [#tpu.dimension_semantics<arbitrary>], iteration_bounds = array<i64: 20>, scalar_prefetch = 0 : i64, scratch_operands = 0 : i64, tpu.core_type = #tpu.core_type<tc>, window_params = [{transform_indices = @transform_0, window_bounds = array<i64: 1, 512, 16>}, {transform_indices = @transform_1, window_bounds = array<i64: 512, 64>}, {transform_indices = @transform_2, window_bounds = array<i64: 512, 64>}]} {
    %get3A = arith.constant 0 : index
    %get3A_0 = arith.constant 0 : index
    %get3A_1 = arith.constant 0 : index
    %get3A_2 = vector.load %arg1[%get3A, %get3A_0, %get3A_1] : memref<1x512x16xf32, #tpu.memory_space<vmem>>, vector<1x512x16xf32>
    %slice3A = vector.extract_strided_slice %get3A_2 {offsets = [0, 0, 0], sizes = [1, 512, 1], strides = [1, 1, 1]} : vector<1x512x16xf32> to vector<1x512x1xf32>
    %squeeze3A = vector.shape_cast %slice3A : vector<1x512x1xf32> to vector<1x512xf32>
    %reduce_sum3A = arith.constant dense<0.000000e+00> : vector<512xf32>
    %reduce_sum3A_3 = vector.multi_reduction <add>, %squeeze3A, %reduce_sum3A [0] : vector<1x512xf32> to vector<512xf32>
    %gt3A = arith.constant 0.000000e+00 : f32
    %gt3A_4 = vector.broadcast %gt3A : f32 to vector<512xf32>
    %gt3A_5 = arith.cmpf ogt, %reduce_sum3A_3, %gt3A_4 : vector<512xf32>
    %max3A = arith.constant 1.000000e-30 : f32
    %max3A_6 = vector.broadcast %max3A : f32 to vector<512xf32>
    %max3A_7 = arith.maximumf %reduce_sum3A_3, %max3A_6 : vector<512xf32>
    %rsqrt3A = math.rsqrt %max3A_7 : vector<512xf32>
    %jit3A = arith.constant 0.000000e+00 : f32
    %broadcast_in_dim3A = vector.broadcast %jit3A : f32 to vector<512xf32>
    %select_n3A = arith.select %gt3A_5, %rsqrt3A, %broadcast_in_dim3A : vector<512xi1>, vector<512xf32>
    %broadcast_in_dim3A_8 = vector.shape_cast %select_n3A : vector<512xf32> to vector<512x1xf32>
    %get3A_9 = arith.constant 0 : index
    %get3A_10 = arith.constant 0 : index
    %get3A_11 = vector.load %arg2[%get3A_9, %get3A_10] : memref<512x64xf32, #tpu.memory_space<vmem>>, vector<512x64xf32>
    %mul3A = vector.broadcast %broadcast_in_dim3A_8 : vector<512x1xf32> to vector<512x64xf32>
    %mul3A_12 = arith.mulf %mul3A, %get3A_11 : vector<512x64xf32>
    %swap3A = arith.constant 0 : index
    %swap3A_13 = arith.constant 0 : index
    %swap3A_14 = vector.load %arg3[%swap3A, %swap3A_13] : memref<512x64xf32, #tpu.memory_space<vmem>>, vector<512x64xf32>
    tpu.vector_store %arg3[%swap3A, %swap3A_13], %mul3A_12 {strides = array<i32>} : memref<512x64xf32, #tpu.memory_space<vmem>>, vector<512x64xf32>,
    return
  }
  func.func @transform_0(%arg0: i32) -> (i32, i32, i32) {
    %c0_i32 = arith.constant 0 : i32
    %c0_i32_0 = arith.constant 0 : i32
    %c0_i32_1 = arith.constant 0 : i32
    return %c0_i32, %arg0, %c0_i32_0 : i32, i32, i32
  }
  func.func @transform_1(%arg0: i32) -> (i32, i32) {
    %c0_i32 = arith.constant 0 : i32
    %c0_i32_0 = arith.constant 0 : i32
    return %arg0, %c0_i32 : i32, i32
  }
  func.func @transform_2(%arg0: i32) -> (i32, i32) {
    %c0_i32 = arith.constant 0 : i32
    %c0_i32_0 = arith.constant 0 : i32
    return %arg0, %c0_i32 : i32, i32
  }
}

module attributes {stable_mosaic.version = 14 : i64} {
  func.func @_mid_body(%arg0: i32, %arg1: memref<1x512x64xf32, #tpu.memory_space<vmem>>, %arg2: memref<1x512x16xf32, #tpu.memory_space<vmem>>, %arg3: memref<1x64xf32, #tpu.memory_space<vmem>>, %arg4: memref<64x48xf32, #tpu.memory_space<vmem>>, %arg5: memref<512x48xf32, #tpu.memory_space<vmem>>) attributes {dimension_semantics = [#tpu.dimension_semantics<arbitrary>], iteration_bounds = array<i64: 20>, scalar_prefetch = 0 : i64, scratch_operands = 0 : i64, tpu.core_type = #tpu.core_type<tc>, window_params = [{transform_indices = @transform_0, window_bounds = array<i64: 1, 512, 64>}, {transform_indices = @transform_1, window_bounds = array<i64: 1, 512, 16>}, {pipeline_mode = #tpu.pipeline_mode<synchronous>, transform_indices = @transform_2, window_bounds = array<i64: 1, 64>}, {pipeline_mode = #tpu.pipeline_mode<synchronous>, transform_indices = @transform_3, window_bounds = array<i64: 64, 48>}, {transform_indices = @transform_4, window_bounds = array<i64: 512, 48>}]} {
    %get3A = arith.constant 0 : index
    %get3A_0 = arith.constant 0 : index
    %get3A_1 = arith.constant 0 : index
    %get3A_2 = vector.load %arg2[%get3A, %get3A_0, %get3A_1] : memref<1x512x16xf32, #tpu.memory_space<vmem>>, vector<1x512x16xf32>
    %slice3A = vector.extract_strided_slice %get3A_2 {offsets = [0, 0, 0], sizes = [1, 512, 1], strides = [1, 1, 1]} : vector<1x512x16xf32> to vector<1x512x1xf32>
    %squeeze3A = vector.shape_cast %slice3A : vector<1x512x1xf32> to vector<1x512xf32>
    %reduce_sum3A = arith.constant dense<0.000000e+00> : vector<512xf32>
    %reduce_sum3A_3 = vector.multi_reduction <add>, %squeeze3A, %reduce_sum3A [0] : vector<1x512xf32> to vector<512xf32>
    %gt3A = arith.constant 0.000000e+00 : f32
    %gt3A_4 = vector.broadcast %gt3A : f32 to vector<512xf32>
    %gt3A_5 = arith.cmpf ogt, %reduce_sum3A_3, %gt3A_4 : vector<512xf32>
    %max3A = arith.constant 1.000000e-30 : f32
    %max3A_6 = vector.broadcast %max3A : f32 to vector<512xf32>
    %max3A_7 = arith.maximumf %reduce_sum3A_3, %max3A_6 : vector<512xf32>
    %rsqrt3A = math.rsqrt %max3A_7 : vector<512xf32>
    %jit3A = arith.constant 0.000000e+00 : f32
    %broadcast_in_dim3A = vector.broadcast %jit3A : f32 to vector<512xf32>
    %select_n3A = arith.select %gt3A_5, %rsqrt3A, %broadcast_in_dim3A : vector<512xi1>, vector<512xf32>
    %get3A_8 = arith.constant 0 : index
    %get3A_9 = arith.constant 0 : index
    %get3A_10 = arith.constant 0 : index
    %get3A_11 = vector.load %arg1[%get3A_8, %get3A_9, %get3A_10] : memref<1x512x64xf32, #tpu.memory_space<vmem>>, vector<1x512x64xf32>
    %reduce_sum3A_12 = arith.constant dense<0.000000e+00> : vector<512x64xf32>
    %reduce_sum3A_13 = vector.multi_reduction <add>, %get3A_11, %reduce_sum3A_12 [0] : vector<1x512x64xf32> to vector<512x64xf32>
    %broadcast_in_dim3A_14 = vector.shape_cast %select_n3A : vector<512xf32> to vector<512x1xf32>
    %mul3A = vector.broadcast %broadcast_in_dim3A_14 : vector<512x1xf32> to vector<512x64xf32>
    %mul3A_15 = arith.mulf %mul3A, %reduce_sum3A_13 : vector<512x64xf32>
    %get3A_16 = arith.constant 0 : index
    %get3A_17 = arith.constant 0 : index
    %get3A_18 = vector.load %arg3[%get3A_16, %get3A_17] : memref<1x64xf32, #tpu.memory_space<vmem>>, vector<1x64xf32>
    %add3A = vector.broadcast %get3A_18 : vector<1x64xf32> to vector<512x64xf32>
    %add3A_19 = arith.addf %mul3A_15, %add3A : vector<512x64xf32>
    %max3A_20 = arith.constant 0.000000e+00 : f32
    %max3A_21 = vector.broadcast %max3A_20 : f32 to vector<512x64xf32>
    %max3A_22 = arith.maximumf %add3A_19, %max3A_21 : vector<512x64xf32>
    %get3A_23 = arith.constant 0 : index
    %get3A_24 = arith.constant 0 : index
    %get3A_25 = vector.load %arg4[%get3A_23, %get3A_24] : memref<64x48xf32, #tpu.memory_space<vmem>>, vector<64x48xf32>
    %dot_general3A = arith.constant dense<0.000000e+00> : vector<512x48xf32>
    %dot_general3A_26 = tpu.matmul %max3A_22, %get3A_25, %dot_general3A {dimension_numbers = #tpu.dot_dimension_numbers<[1], [0], [0], [1], [0, 0, 1, 1], [], []>, transpose_lhs_hint = false} : vector<512x64xf32>, vector<64x48xf32>, vector<512x48xf32> -> vector<512x48xf32>
    %broadcast_in_dim3A_27 = vector.shape_cast %select_n3A : vector<512xf32> to vector<512x1xf32>
    %mul3A_28 = vector.broadcast %broadcast_in_dim3A_27 : vector<512x1xf32> to vector<512x48xf32>
    %mul3A_29 = arith.mulf %mul3A_28, %dot_general3A_26 : vector<512x48xf32>
    %swap3A = arith.constant 0 : index
    %swap3A_30 = arith.constant 0 : index
    %swap3A_31 = vector.load %arg5[%swap3A, %swap3A_30] : memref<512x48xf32, #tpu.memory_space<vmem>>, vector<512x48xf32>
    tpu.vector_store %arg5[%swap3A, %swap3A_30], %mul3A_29 {strides = array<i32>} : memref<512x48xf32, #tpu.memory_space<vmem>>, vector<512x48xf32>,
    return
  }
  func.func @transform_0(%arg0: i32) -> (i32, i32, i32) {
    %c0_i32 = arith.constant 0 : i32
    %c0_i32_0 = arith.constant 0 : i32
    %c0_i32_1 = arith.constant 0 : i32
    return %c0_i32, %arg0, %c0_i32_0 : i32, i32, i32
  }
  func.func @transform_1(%arg0: i32) -> (i32, i32, i32) {
    %c0_i32 = arith.constant 0 : i32
    %c0_i32_0 = arith.constant 0 : i32
    %c0_i32_1 = arith.constant 0 : i32
    return %c0_i32, %arg0, %c0_i32_0 : i32, i32, i32
  }
  func.func @transform_2(%arg0: i32) -> (i32, i32) {
    %c0_i32 = arith.constant 0 : i32
    %c0_i32_0 = arith.constant 0 : i32
    %c0_i32_1 = arith.constant 0 : i32
    return %c0_i32, %c0_i32_0 : i32, i32
  }
  func.func @transform_3(%arg0: i32) -> (i32, i32) {
    %c0_i32 = arith.constant 0 : i32
    %c0_i32_0 = arith.constant 0 : i32
    %c0_i32_1 = arith.constant 0 : i32
    return %c0_i32, %c0_i32_0 : i32, i32
  }
  func.func @transform_4(%arg0: i32) -> (i32, i32) {
    %c0_i32 = arith.constant 0 : i32
    %c0_i32_0 = arith.constant 0 : i32
    return %arg0, %c0_i32 : i32, i32
  }
}

module attributes {stable_mosaic.version = 14 : i64} {
  func.func @_final_body(%arg0: i32, %arg1: memref<1x512x48xf32, #tpu.memory_space<vmem>>, %arg2: memref<1x512x16xf32, #tpu.memory_space<vmem>>, %arg3: memref<1x40xf32, #tpu.memory_space<vmem>>, %arg4: memref<512x40xf32, #tpu.memory_space<vmem>>) attributes {dimension_semantics = [#tpu.dimension_semantics<arbitrary>], iteration_bounds = array<i64: 20>, scalar_prefetch = 0 : i64, scratch_operands = 0 : i64, tpu.core_type = #tpu.core_type<tc>, window_params = [{transform_indices = @transform_0, window_bounds = array<i64: 1, 512, 48>}, {transform_indices = @transform_1, window_bounds = array<i64: 1, 512, 16>}, {pipeline_mode = #tpu.pipeline_mode<synchronous>, transform_indices = @transform_2, window_bounds = array<i64: 1, 40>}, {transform_indices = @transform_3, window_bounds = array<i64: 512, 40>}]} {
    %get3A = arith.constant 0 : index
    %get3A_0 = arith.constant 0 : index
    %get3A_1 = arith.constant 0 : index
    %get3A_2 = vector.load %arg2[%get3A, %get3A_0, %get3A_1] : memref<1x512x16xf32, #tpu.memory_space<vmem>>, vector<1x512x16xf32>
    %slice3A = vector.extract_strided_slice %get3A_2 {offsets = [0, 0, 0], sizes = [1, 512, 1], strides = [1, 1, 1]} : vector<1x512x16xf32> to vector<1x512x1xf32>
    %squeeze3A = vector.shape_cast %slice3A : vector<1x512x1xf32> to vector<1x512xf32>
    %reduce_sum3A = arith.constant dense<0.000000e+00> : vector<512xf32>
    %reduce_sum3A_3 = vector.multi_reduction <add>, %squeeze3A, %reduce_sum3A [0] : vector<1x512xf32> to vector<512xf32>
    %gt3A = arith.constant 0.000000e+00 : f32
    %gt3A_4 = vector.broadcast %gt3A : f32 to vector<512xf32>
    %gt3A_5 = arith.cmpf ogt, %reduce_sum3A_3, %gt3A_4 : vector<512xf32>
    %max3A = arith.constant 1.000000e-30 : f32
    %max3A_6 = vector.broadcast %max3A : f32 to vector<512xf32>
    %max3A_7 = arith.maximumf %reduce_sum3A_3, %max3A_6 : vector<512xf32>
    %rsqrt3A = math.rsqrt %max3A_7 : vector<512xf32>
    %jit3A = arith.constant 0.000000e+00 : f32
    %broadcast_in_dim3A = vector.broadcast %jit3A : f32 to vector<512xf32>
    %select_n3A = arith.select %gt3A_5, %rsqrt3A, %broadcast_in_dim3A : vector<512xi1>, vector<512xf32>
    %get3A_8 = arith.constant 0 : index
    %get3A_9 = arith.constant 0 : index
    %get3A_10 = arith.constant 0 : index
    %get3A_11 = vector.load %arg1[%get3A_8, %get3A_9, %get3A_10] : memref<1x512x48xf32, #tpu.memory_space<vmem>>, vector<1x512x48xf32>
    %reduce_sum3A_12 = arith.constant dense<0.000000e+00> : vector<512x48xf32>
    %reduce_sum3A_13 = vector.multi_reduction <add>, %get3A_11, %reduce_sum3A_12 [0] : vector<1x512x48xf32> to vector<512x48xf32>
    %slice3A_14 = vector.extract_strided_slice %reduce_sum3A_13 {offsets = [0, 0], sizes = [512, 40], strides = [1, 1]} : vector<512x48xf32> to vector<512x40xf32>
    %broadcast_in_dim3A_15 = vector.shape_cast %select_n3A : vector<512xf32> to vector<512x1xf32>
    %mul3A = vector.broadcast %broadcast_in_dim3A_15 : vector<512x1xf32> to vector<512x40xf32>
    %mul3A_16 = arith.mulf %mul3A, %slice3A_14 : vector<512x40xf32>
    %get3A_17 = arith.constant 0 : index
    %get3A_18 = arith.constant 0 : index
    %get3A_19 = vector.load %arg3[%get3A_17, %get3A_18] : memref<1x40xf32, #tpu.memory_space<vmem>>, vector<1x40xf32>
    %add3A = vector.broadcast %get3A_19 : vector<1x40xf32> to vector<512x40xf32>
    %add3A_20 = arith.addf %mul3A_16, %add3A : vector<512x40xf32>
    %reduce_max3A = arith.constant dense<0xFF800000> : vector<512xf32>
    %reduce_max3A_21 = vector.multi_reduction <maximumf>, %add3A_20, %reduce_max3A [1] : vector<512x40xf32> to vector<512xf32>
    %broadcast_in_dim3A_22 = vector.shape_cast %reduce_max3A_21 : vector<512xf32> to vector<512x1xf32>
    %sub3A = vector.broadcast %broadcast_in_dim3A_22 : vector<512x1xf32> to vector<512x40xf32>
    %sub3A_23 = arith.subf %add3A_20, %sub3A : vector<512x40xf32>
    %exp3A = math.exp %sub3A_23 : vector<512x40xf32>
    %sub3A_24 = vector.broadcast %broadcast_in_dim3A_22 : vector<512x1xf32> to vector<512x40xf32>
    %sub3A_25 = arith.subf %add3A_20, %sub3A_24 : vector<512x40xf32>
    %reduce_sum3A_26 = arith.constant dense<0.000000e+00> : vector<512xf32>
    %reduce_sum3A_27 = vector.multi_reduction <add>, %exp3A, %reduce_sum3A_26 [1] : vector<512x40xf32> to vector<512xf32>
    %broadcast_in_dim3A_28 = vector.shape_cast %reduce_sum3A_27 : vector<512xf32> to vector<512x1xf32>
    %log3A = math.log %broadcast_in_dim3A_28 : vector<512x1xf32>
    %sub3A_29 = vector.broadcast %log3A : vector<512x1xf32> to vector<512x40xf32>
    %sub3A_30 = arith.subf %sub3A_25, %sub3A_29 : vector<512x40xf32>
    %swap3A = arith.constant 0 : index
    %swap3A_31 = arith.constant 0 : index
    %swap3A_32 = vector.load %arg4[%swap3A, %swap3A_31] : memref<512x40xf32, #tpu.memory_space<vmem>>, vector<512x40xf32>
    tpu.vector_store %arg4[%swap3A, %swap3A_31], %sub3A_30 {strides = array<i32>} : memref<512x40xf32, #tpu.memory_space<vmem>>, vector<512x40xf32>,
    return
  }
  func.func @transform_0(%arg0: i32) -> (i32, i32, i32) {
    %c0_i32 = arith.constant 0 : i32
    %c0_i32_0 = arith.constant 0 : i32
    %c0_i32_1 = arith.constant 0 : i32
    return %c0_i32, %arg0, %c0_i32_0 : i32, i32, i32
  }
  func.func @transform_1(%arg0: i32) -> (i32, i32, i32) {
    %c0_i32 = arith.constant 0 : i32
    %c0_i32_0 = arith.constant 0 : i32
    %c0_i32_1 = arith.constant 0 : i32
    return %c0_i32, %arg0, %c0_i32_0 : i32, i32, i32
  }
  func.func @transform_2(%arg0: i32) -> (i32, i32) {
    %c0_i32 = arith.constant 0 : i32
    %c0_i32_0 = arith.constant 0 : i32
    %c0_i32_1 = arith.constant 0 : i32
    return %c0_i32, %c0_i32_0 : i32, i32
  }
  func.func @transform_3(%arg0: i32) -> (i32, i32) {
    %c0_i32 = arith.constant 0 : i32
    %c0_i32_0 = arith.constant 0 : i32
    return %arg0, %c0_i32 : i32, i32
  }
}

</mosaic_0001>

<sc_bundles>
// kernel: kernel.12.cloned.1.call-start
scs
__scs_entry_jumppad:
0x0: {  	(pc) =	sbr.rel $0x88, $3  }
0x1: {  	(tag) =	ssettag $0x0;
	lr =	simm.s32 $0x1  }
0x2: {  	[smem:$0x3F9B] =	sst lr;
	_ =	strace $0xD0000000  }
0x3: {  	_ = 	snop  }
0x4: {  	_ = 	snop  }
0x5: {  	_ = 	snop  }
0x6: {  	_ = 	snop  }
0x7: {  	_ = 	snop  }
__scs_overlays_trampoline_lowered:
0x8: {  	[smem:$0x3FAA] =	sst s0  }
0x9: {  	[smem:$0x3FAB] =	sst s1  }
0xa: {  	[smem:$0x3FAC] =	sst s2  }
0xb: {  	[smem:$0x3FAD] =	sst s3  }
0xc: {  	[smem:$0x3FAE] =	sst s4  }
0xd: {  	[smem:$0x3FAF] =	sst s5  }
0xe: {  	[smem:$0x3FB0] =	sst s6  }
0xf: {  	[smem:$0x3FB1] =	sst s7  }
0x10: {  	[smem:$0x3FB2] =	sst s8  }
0x11: {  	[smem:$0x3FB3] =	sst s9;
	s0 =	simm.s32 @!p0 $0x0  }
0x12: {  	s1 =	sld [smem:$0x3F99];
	s0 =	simm.s32 @p0 $0x1  }
0x13: {  	[smem:$0x3FB4] =	sst s0;
	s0 =	simm.s32 @!p1 $0x0  }
0x14: {  	s2 =	sld [smem:$0x3F98];
	s0 =	simm.s32 @p1 $0x1  }
0x15: {  	[smem:$0x3FB5] =	sst s0;
	s0 =	simm.s32 @!p2 $0x0  }
0x16: {  	s3 =	sld [smem:$0x3FDB];
	s0 =	simm.s32 @p2 $0x1  }
0x17: {  	s4 =	simm.s32 $0x1BF5;
	[smem:$0x3FB7] =	sst s0  }
0x18: {  	s0 =	sld [smem:$0x3F9A];
	_ =	swait.ge [sflag:s4], $0x0  }
0x19: {  	s7 =	sld [smem:$0x3F9B]  }
0x1a: {  	s8 =	sadd.s32 $0xFFFFE003, lr  }
0x1b: {  	s9 =	sadd.s32 $0xFFFFFEF7, lr;
	s5 =	simm.s32 $0xFFFFFFFF;
	p2 =	slt.u32 s8, $0xFFFFF086  }
0x1c: {  	p1 =	slt.u32 s9, $0xF7A;
	s5 =	simm.s32 @!p2 $0x0  }
0x1d: {  	s5 =	simm.s32 @p1 $0x1;
	p0 =	seq.s32 s7, s2  }
0x1e: {  	s7 =	smul.u32 @!p0 $0xF7A, s2;
	p2 =	seq.s32 @!p0 s5, $0x0  }
0x1f: {  	s9 =	smul.u32 $0xF7A, s1;
	s8 =	simm.s32 @!p0 $0x1BF5;
	p2 =	por !p2, p0  }
0x20: {  	[sflag:s8] =	ssyncset.s32 @!p0 $0xFFFFF086;
	s6 =	sadd.s32 @!p0 s3, s7;
	s7 =	simm.s32 @!p0 $0x108  }
0x21: {  	s3 =	sadd.s32 s3, s9;
	s6 =	sadd.s32 @!p0 $0x88, s6;
	s7 =	simm.s32 @p2 $0x1082  }
0x22: {  	[simem:s7], [sflag:s8] =	dma.local @!p0 [hbm:s6], $0xF7A  }
0x23: {  	s9 =	sor.u32 $0xD0000000, s2;
	s6 =	simm.s32 $0x108;
	_ =	swait.ge @!p0 [sflag:s8], $0x0  }
0x24: {  	s3 =	sadd.s32 $0x88, s3;
	s6 =	simm.s32 @!p1 $0x1082;
	[sflag:s4] =	ssyncset.s32 $0xFFFFF086  }
0x25: {  	[simem:s6], [sflag:s4] =	dma.local [hbm:s3], $0xF7A  }
0x26: {  	[smem:$0x3F9B] =	sst s1;
	(tag) =	ssettag s2;
	_ =	strace s9  }
0x27: {  	s1 =	sld [smem:$0x3FAB]  }
0x28: {  	s2 =	sld [smem:$0x3FAC]  }
0x29: {  	s4 =	sld [smem:$0x3FAE]  }
0x2a: {  	p0 =	seq.s32 s5, $0x0;
	s5 =	sld [smem:$0x3FAF]  }
0x2b: {  	s6 =	sld [smem:$0x3FB0]  }
0x2c: {  	s7 =	sld [smem:$0x3FB1]  }
0x2d: {  	s3 =	simm.s32 $0x108;
	s8 =	sld [smem:$0x3FB2]  }
0x2e: {  	s3 =	simm.s32 @!p0 $0x1082;
	s9 =	sld [smem:$0x3FB3]  }
0x2f: {  	lr =	sadd.s32 s0, s3;
	s0 =	sld [smem:$0x3FAA]  }
0x30: {  	s3 =	sld [smem:$0x3FAD]  }
0x31: {  	[smem:$0x3FB6] =	sst s10  }
0x32: {  	s10 =	sld [smem:$0x3FB4];
	_ =	sdelay $0x3  }
0x33: {  	p0 =	seq.s32 s10, $0x1;
	s10 =	sld [smem:$0x3FB6];
	_ =	sdelay $0x3  }
0x34: {  	[smem:$0x3FB6] =	sst s10  }
0x35: {  	s10 =	sld [smem:$0x3FB5];
	_ =	sdelay $0x3  }
0x36: {  	p1 =	seq.s32 s10, $0x1;
	s10 =	sld [smem:$0x3FB6];
	_ =	sdelay $0x3  }
0x37: {  	[smem:$0x3FB6] =	sst s10  }
0x38: {  	s10 =	sld [smem:$0x3FB7]  }
0x39: {  	_ = 	snop;
	(pc) =	sbr.ind lr, $3  }
0x3a: {  	_ = 	snop  }
0x3b: {  	_ = 	snop  }
0x3c: {  	p2 =	seq.s32 s10, $0x1;
	s10 =	sld [smem:$0x3FB6]  }
0x3d: {  	_ =	shalt  }
0x3e: {  	_ =	shalt  }
0x3f: {  	_ =	shalt  }
0x40: {  	_ =	shalt  }
0x41: {  	_ =	shalt  }
0x42: {  	_ =	shalt  }
0x43: {  	_ =	shalt  }
0x44: {  	_ =	shalt  }
0x45: {  	_ =	shalt  }
0x46: {  	_ =	shalt  }
0x47: {  	_ =	shalt  }
0x48: {  	_ =	shalt  }
0x49: {  	_ =	shalt  }
0x4a: {  	_ =	shalt  }
0x4b: {  	_ =	shalt  }
0x4c: {  	_ =	shalt  }
0x4d: {  	_ =	shalt  }
0x4e: {  	_ =	shalt  }
0x4f: {  	_ =	shalt  }
0x50: {  	_ =	shalt  }
0x51: {  	_ =	shalt  }
0x52: {  	_ =	shalt  }
0x53: {  	_ =	shalt  }
0x54: {  	_ =	shalt  }
0x55: {  	_ =	shalt  }
0x56: {  	_ =	shalt  }
0x57: {  	_ =	shalt  }
0x58: {  	_ =	shalt  }
0x59: {  	_ =	shalt  }
0x5a: {  	_ =	shalt  }
0x5b: {  	_ =	shalt  }
0x5c: {  	_ =	shalt  }
0x5d: {  	_ =	shalt  }
0x5e: {  	_ =	shalt  }
0x5f: {  	_ =	shalt  }
0x60: {  	_ =	shalt  }
0x61: {  	_ =	shalt  }
0x62: {  	_ =	shalt  }
0x63: {  	_ =	shalt  }
0x64: {  	_ =	shalt  }
0x65: {  	_ =	shalt  }
0x66: {  	_ =	shalt  }
0x67: {  	_ =	shalt  }
0x68: {  	_ =	shalt  }
0x69: {  	_ =	shalt  }
0x6a: {  	_ =	shalt  }
0x6b: {  	_ =	shalt  }
0x6c: {  	_ =	shalt  }
0x6d: {  	_ =	shalt  }
0x6e: {  	_ =	shalt  }
0x6f: {  	_ =	shalt  }
0x70: {  	_ =	shalt  }
0x71: {  	_ =	shalt  }
0x72: {  	_ =	shalt  }
0x73: {  	_ =	shalt  }
0x74: {  	_ =	shalt  }
0x75: {  	_ =	shalt  }
0x76: {  	_ =	shalt  }
0x77: {  	_ =	shalt  }
0x78: {  	_ =	shalt  }
0x79: {  	_ =	shalt  }
0x7a: {  	_ =	shalt  }
0x7b: {  	_ =	shalt  }
0x7c: {  	_ =	shalt  }
0x7d: {  	_ =	shalt  }
0x7e: {  	_ =	shalt  }
0x7f: {  	_ =	shalt  }
0x80: {  	_ =	shalt  }
0x81: {  	_ =	shalt  }
0x82: {  	_ =	shalt  }
0x83: {  	_ =	shalt  }
0x84: {  	_ =	shalt  }
0x85: {  	_ =	shalt  }
0x86: {  	_ =	shalt  }
0x87: {  	_ =	shalt  }
.Lfunc_end0:
.L_simem_size_0:
called_computation.1_lowered:
.L_overlay_start_0:
0x88: {  	s0 =	sld [smem:$0x3FD9]  }
0x89: {  	s1 =	sld [smem:$0x3FFE];
	_ =	sdelay $0x3  }
0x8a: {  	s0 =	sadd.s32 s1, s0  }
0x8b: {  	[smem:$0x3FC2] =	sst s0  }
0x8c: {  	_ = 	snop  }
0x8d: {  	s0 =	sld [smem:$0x3FD0];
	(tm) =	ssettm $0x1  }
0x8e: {  	s16 =	sld [smem:$0x3FFB];
	_ =	sdelay $0x3  }
0x8f: {  	_ =	strace s16  }
0x90: {  	s1 =	sld [smem:$0x3FFC];
	_ =	sdelay $0x3  }
0x91: {  	_ =	strace s1  }
0x92: {  	s1 =	sld [smem:$0x3FFD];
	_ =	sdelay $0x3  }
0x93: {  	_ =	strace s1  }
0x94: {  	_ =	strace $0x8FFFFFFF  }
0x95: {  	s17 =	sld [smem:$0x3FDB];
	_ =	sdelay $0x1  }
0x96: {  	s2 =	simm.s32 $_scs_section_size  }
0x97: {  	s3 =	simm.s32 $_size__tile_overlayer_lowered;
	s4 =	simm.s32 $_tile_overlayer_lowered  }
0x98: {  	s20 =	simm.s32 $0x1BFF;
	s19 =	sshll.u32 s4, $0x1;
	s1 =	sadd.s32 s2, s17  }
0x99: {  	s5 =	simm.s32 $0x0;
	s18 =	sshll.u32 s3, $0x1;
	s3 =	sadd.s32 s19, s1  }
0x9a: {  	[timem:s5], [sflag:s20] =	dma.local [hbm:s3], s18  }
0x9b: {  	_ =	swait.ge [sflag:s20], s18  }
0x9c: {  	s2 =	ssub.s32 $0x0, s18;
	[sflag:s20] =	ssyncset.done $0x0  }
0x9d: {  	[sflag:s20] =	ssyncadd.s32 s2;
	_ =	sdelay $0x1  }
0x9e: {  	s21 =	simm.s32 $0x1B8B  }
0x9f: {  	_ =	swait.ge [sflag:s21], $0x1  }
0xa0: {  	[sflag:s21] =	ssyncset.done $0x0  }
0xa1: {  	s23 =	simm.s32 $0x1B8E;
	s22 =	sld [smem:$0x3FFE];
	[sflag:s21] =	ssyncadd.s32 $0xFFFFFFFF  }
0xa2: {  	s24 =	simm.s32 $execute0_lowered;
	[smem:$0x3FD2] =	sst s23  }
0xa3: {  	s3 =	sshll.u32 s24, $0x1;
	_ =	strace $0x80000049;
	[dreg:$0x1] =	wrdreg $0xFFFFFFFF  }
0xa4: {  	s25 =	simm.s32 $_size_execute0_lowered;
	s1 =	sadd.s32 s1, s3;
	[dreg:$0x0] =	wrdreg $0x0  }
0xa5: {  	s3 =	sshll.u32 s25, $0x1;
	[dreg:$0x2] =	wrdreg s1  }
0xa6: {  	[dreg:$0x3] =	wrdreg s3  }
0xa7: {  	[dreg:$0x4] =	wrdreg $0xC0  }
0xa8: {  	_ =	task [dreg:s5], $0x5FFFF  }
0xa9: {  	[dreg:$0x1] =	wrdreg $0xFFFFFFFF  }
0xaa: {  	[dreg:$0x0] =	wrdreg $0x60  }
0xab: {  	[dreg:$0x2] =	wrdreg s22  }
0xac: {  	[dreg:$0x3] =	wrdreg s0  }
0xad: {  	[dreg:$0x4] =	wrdreg $0x120000  }
0xae: {  	[dreg:$0x5] =	wrdreg $0x9  }
0xaf: {  	_ =	task.clear_ibuf [dreg:s5], $0x6FFFF;
	_ =	strace $0x90000049  }
0xb0: {  	s26 =	simm.s32 $0x9;
	_ =	strace $0x8000004B  }
0xb1: {  	_ =	swait.ge [sflag:s26], $0x1  }
0xb2: {  	[sflag:s26] =	ssyncadd.s32 $0xFFFFFFFF  }
0xb3: {  	_ =	strace $0x9000004B  }
0xb4: {  	_ =	sfence  }
0xb5: {  	s28 =	sld [smem:$0x0];
	_ =	sdelay $0x1  }
0xb6: {  	s29 =	srdreg.scid  }
0xb7: {  	s30 =	sshll.u32 s29, $0xD;
	s31 =	sshrl.u32 s29, $0x2  }
0xb8: {  	s2 =	sand.u32 $0x4000, s30;
	s1 =	sand.u32 $0x1, s29;
	s0 =	sadd.s32 s31, s28  }
0xb9: {  	s1 =	sor.u32 s2, s1;
	s0 =	sshll.u32 s0, $0x11  }
0xba: {  	s0 =	sor.u32 s0, s1  }
0xbb: {  	s0 =	sadd.s32 $0x8F2B, s0  }
0xbc: {  	[sflag:s0] =	ssyncadd.remote.s32 $0x1  }
0xbd: {  	_ =	sfence.sel $0xFFFF  }
0xbe: {  	[dreg:$0x0] =	wrdreg $0xFFFFFFFF;
	(pc) =	sbr.abs _section_cstart, $3  }
0xbf: {  	[dreg:$0x1] =	wrdreg $0xFFFFFFFF  }
0xc0: {  	_ =	task.clear_ibuf [dreg:s5], $0x2FFFF;
	_ =	strace $0x9FFFFFFF  }
0xc1: {  	(tm) =	ssettm $0x7FFFFFFF  }
tec
execute0_lowered:
.L_overlay_start_1:
0x0: {  	(tag) =	ssettag $0x1  }
0x1: {  	s9 =	rddreg [dreg:$0x0]  }
0x2: {  	s3 =	rddreg [dreg:$0x1]  }
0x3: {  	s2 =	rddreg [dreg:$0x2];
	s1 =	stileid.u32  }
0x4: {  	s0 =	rddreg [dreg:$0x3];
	s8 =	simm.s32 $0x0;
	s5 =	smul.u32 $0xA00, s1  }
0x5: {  	[smem:$0x7FF] =	sst s8  }
0x6: {  	s4 =	simm.s32 $0x5;
	_ =	strace $0x8000004A;
	s3 =	sadd.s32 s3, s5  }
0x7: {  	[tilespmem:s8], [sflag:$0x5] =	stream.linear.gather [hbm4b:s3+s8], $0x5000, $0x38;
	[tilespmem:$0x1C000] =	vst v63  }
0x8: {  	_ =	swait.ge [sflag:s4], $0x5000  }
0x9: {  	s6 =	simm.s32 $0x5000;
	s20 =	sadd.s32 s5, s9;
	[sflag:s4] =	ssyncset.done $0x0  }
0xa: {  	s21 =	smul.u32 $0x28000, s1;
	s3 =	sadd.s32 $0x1A00, s20;
	[sflag:s4] =	ssyncadd.s32 $0xFFFFB000  }
0xb: {  	[tilespmem:s6], [sflag:$0x5] =	stream.linear.gather [hbm4b:s3+s8], $0x5000, $0x38;
	[tilespmem:$0x1C000] =	vst v63  }
0xc: {  	s22 =	sadd.s32 $0x1FA00, s9;
	s23 =	sshrl.u32 s21, $0x2;
	_ =	swait.ge [sflag:s4], $0x5000  }
0xd: {  	s24 =	sshll.u32 s1, $0x6;
	s5 =	sadd.s32 s23, s2;
	[sflag:s4] =	ssyncset.done $0x0  }
0xe: {  	s7 =	sshrl.u32 s5, $0x3;
	s3 =	sor.u32 $0x1C05, s24;
	[sflag:s4] =	ssyncadd.s32 $0xFFFFB000  }
0xf: {  	[spmem:s7], [sflag:s3] =	dma.local [hbm:s22], $0x400  }
0x10: {  	_ =	swait.ge [sflag:s4], $0x400  }
0x11: {  	s25 =	sadd.s32 $0x2000, s5;
	[sflag:s4] =	ssyncset.done $0x0  }
0x12: {  	s7 =	sshrl.u32 s25, $0x3;
	[sflag:s4] =	ssyncadd.s32 $0xFFFFFC00  }
0x13: {  	[spmem:s7], [sflag:s3] =	dma.local [hbm:s22], $0x400  }
0x14: {  	_ =	swait.ge [sflag:s4], $0x400  }
0x15: {  	s26 =	sadd.s32 $0x4000, s5;
	[sflag:s4] =	ssyncset.done $0x0  }
0x16: {  	s7 =	sshrl.u32 s26, $0x3;
	[sflag:s4] =	ssyncadd.s32 $0xFFFFFC00  }
0x17: {  	[spmem:s7], [sflag:s3] =	dma.local [hbm:s22], $0x400  }
0x18: {  	_ =	swait.ge [sflag:s4], $0x400  }
0x19: {  	s28 =	sadd.s32 $0x6000, s5;
	[sflag:s4] =	ssyncset.done $0x0  }
0x1a: {  	s7 =	sshrl.u32 s28, $0x3;
	[sflag:s4] =	ssyncadd.s32 $0xFFFFFC00  }
0x1b: {  	[spmem:s7], [sflag:s3] =	dma.local [hbm:s22], $0x400  }
0x1c: {  	_ =	swait.ge [sflag:s4], $0x400  }
0x1d: {  	s5 =	sadd.s32 $0x8000, s5;
	[sflag:s4] =	ssyncset.done $0x0  }
0x1e: {  	s5 =	sshrl.u32 s5, $0x3;
	[sflag:s4] =	ssyncadd.s32 $0xFFFFFC00  }
0x1f: {  	[spmem:s5], [sflag:s3] =	dma.local [hbm:s22], $0x400  }
0x20: {  	_ =	swait.ge [sflag:s4], $0x400  }
0x21: {  	[sflag:s4] =	ssyncset.done $0x0  }
0x22: {  	s6 =	simm.s32 $0x80;
	[sflag:s4] =	ssyncadd.s32 $0xFFFFFC00  }
0x23: {  	s7 =	simm.s32 $0xA000;
	s5 =	sadd.s32 $0xBA00, s9;
	[bflag:$0x0] =	sbarrier.arrive $0xFFFF  }
0x24: {  	[tilespmem:s7], [sflag:$0x1] =	stream.indirect.gather [hbm4b:s5+s6], $0x40, s8, s6, $0xb8;
	[tilespmem:$0x1C000] =	vst v63  }
0x25: {  	s8 =	simm.s32 $0xC000  }
0x26: {  	[tilespmem:s8], [sflag:$0x2] =	stream.indirect.gather [hbm4b:s5+s6], $0x40, s6, s6, $0xb8;
	[tilespmem:$0x1C000] =	vst v63  }
0x27: {  	s11 =	simm.s32 $0x100;
	s10 =	simm.s32 $0xE000  }
0x28: {  	[tilespmem:s10], [sflag:$0x3] =	stream.indirect.gather [hbm4b:s5+s6], $0x40, s11, s6, $0xb8;
	[tilespmem:$0x1C000] =	vst v63  }
0x29: {  	s12 =	simm.s32 $0x180;
	s11 =	simm.s32 $0x10000  }
0x2a: {  	[tilespmem:s11], [sflag:$0x4] =	stream.indirect.gather [hbm4b:s5+s6], $0x40, s12, s6, $0xb8;
	[tilespmem:$0x1C000] =	vst v63  }
0x2b: {  	s12 =	simm.s32 $0x1  }
0x2c: {  	_ =	swait.ge [sflag:s12], $0x2000  }
0x2d: {  	[sflag:s12] =	ssyncset.done $0x0  }
0x2e: {  	s13 =	simm.s32 $0x5000;
	[sflag:s12] =	ssyncadd.s32 $0xFFFFE000  }
0x2f: {  	[spmem:s2] =	stream.indirect.scatter.add.f32 [tilespmem:s7], [sflag:$0x5], $0x40, s13, s6, $0xb8;
	[tilespmem:$0x1C000] =	vst v63  }
0x30: {  	_ =	swait.ge [sflag:s4], $0x2000  }
0x31: {  	[sflag:s4] =	ssyncset.done $0x0  }
0x32: {  	s14 =	simm.s32 $0x200;
	s13 =	simm.s32 $0x2;
	[sflag:s4] =	ssyncadd.s32 $0xFFFFE000  }
0x33: {  	[tilespmem:s7], [sflag:$0x1] =	stream.indirect.gather [hbm4b:s5+s6], $0x40, s14, s6, $0xb8;
	[tilespmem:$0x1C000] =	vst v63  }
0x34: {  	_ =	swait.ge [sflag:s13], $0x2000  }
0x35: {  	[sflag:s13] =	ssyncset.done $0x0  }
0x36: {  	s29 =	simm.s32 $0x5080;
	[sflag:s13] =	ssyncadd.s32 $0xFFFFE000  }
0x37: {  	[spmem:s2] =	stream.indirect.scatter.add.f32 [tilespmem:s8], [sflag:$0x5], $0x40, s29, s6, $0xb8;
	[tilespmem:$0x1C000] =	vst v63  }
0x38: {  	_ =	swait.ge [sflag:s4], $0x2000  }
0x39: {  	[sflag:s4] =	ssyncset.done $0x0  }
0x3a: {  	s15 =	simm.s32 $0x280;
	s14 =	simm.s32 $0x3;
	[sflag:s4] =	ssyncadd.s32 $0xFFFFE000  }
0x3b: {  	[tilespmem:s8], [sflag:$0x2] =	stream.indirect.gather [hbm4b:s5+s6], $0x40, s15, s6, $0xb8;
	[tilespmem:$0x1C000] =	vst v63  }
0x3c: {  	_ =	swait.ge [sflag:s14], $0x2000  }
0x3d: {  	[sflag:s14] =	ssyncset.done $0x0  }
0x3e: {  	s30 =	simm.s32 $0x5100;
	[sflag:s14] =	ssyncadd.s32 $0xFFFFE000  }
0x3f: {  	[spmem:s2] =	stream.indirect.scatter.add.f32 [tilespmem:s10], [sflag:$0x5], $0x40, s30, s6, $0xb8;
	[tilespmem:$0x1C000] =	vst v63  }
0x40: {  	_ =	swait.ge [sflag:s4], $0x2000  }
0x41: {  	[sflag:s4] =	ssyncset.done $0x0  }
0x42: {  	s16 =	simm.s32 $0x300;
	s15 =	simm.s32 $0x4;
	[sflag:s4] =	ssyncadd.s32 $0xFFFFE000  }
0x43: {  	[tilespmem:s10], [sflag:$0x3] =	stream.indirect.gather [hbm4b:s5+s6], $0x40, s16, s6, $0xb8;
	[tilespmem:$0x1C000] =	vst v63  }
0x44: {  	_ =	swait.ge [sflag:s15], $0x2000  }
0x45: {  	[sflag:s15] =	ssyncset.done $0x0  }
0x46: {  	s31 =	simm.s32 $0x5180;
	[sflag:s15] =	ssyncadd.s32 $0xFFFFE000  }
0x47: {  	[spmem:s2] =	stream.indirect.scatter.add.f32 [tilespmem:s11], [sflag:$0x5], $0x40, s31, s6, $0xb8;
	[tilespmem:$0x1C000] =	vst v63  }
0x48: {  	_ =	swait.ge [sflag:s4], $0x2000  }
0x49: {  	s17 =	simm.s32 $0x380;
	[sflag:s4] =	ssyncset.done $0x0  }
0x4a: {  	s9 =	sadd.s32 $0x1FE00, s9;
	s16 =	simm.s32 $0x800;
	[sflag:s4] =	ssyncadd.s32 $0xFFFFE000  }
.LBB2_1:
0x4b: {  	[tilespmem:s11], [sflag:$0x4] =	stream.indirect.gather [hbm4b:s5+s6], $0x40, s17, s6, $0xb8;
	[tilespmem:$0x1C000] =	vst v63  }
0x4c: {  	s17 =	smov.u32 s16  }
0x4d: {  	p0 =	sne.s32 s16, $0x13000;
	s16 =	sadd.s32 $0x800, s16;
	_ =	swait.ge [sflag:s12], $0x2000  }
0x4e: {  	s17 =	sshra.s32 s17, $0x2;
	[sflag:s12] =	ssyncset.done $0x0  }
0x4f: {  	s18 =	sadd.s32 $0x5000, s17;
	[sflag:s12] =	ssyncadd.s32 $0xFFFFE000  }
0x50: {  	[spmem:s2] =	stream.indirect.scatter.add.f32 [tilespmem:s7], [sflag:$0x5], $0x40, s18, s6, $0xb8;
	[tilespmem:$0x1C000] =	vst v63  }
0x51: {  	_ =	swait.ge [sflag:s4], $0x2000  }
0x52: {  	[sflag:s4] =	ssyncset.done $0x0  }
0x53: {  	s18 =	sadd.s32 $0x200, s17;
	[sflag:s4] =	ssyncadd.s32 $0xFFFFE000  }
0x54: {  	[tilespmem:s7], [sflag:$0x1] =	stream.indirect.gather [hbm4b:s5+s6], $0x40, s18, s6, $0xb8;
	[tilespmem:$0x1C000] =	vst v63  }
0x55: {  	_ =	swait.ge [sflag:s13], $0x2000  }
0x56: {  	[sflag:s13] =	ssyncset.done $0x0  }
0x57: {  	s18 =	sadd.s32 $0x5080, s17;
	[sflag:s13] =	ssyncadd.s32 $0xFFFFE000  }
0x58: {  	[spmem:s2] =	stream.indirect.scatter.add.f32 [tilespmem:s8], [sflag:$0x5], $0x40, s18, s6, $0xb8;
	[tilespmem:$0x1C000] =	vst v63  }
0x59: {  	_ =	swait.ge [sflag:s4], $0x2000  }
0x5a: {  	[sflag:s4] =	ssyncset.done $0x0  }
0x5b: {  	s18 =	sadd.s32 $0x280, s17;
	[sflag:s4] =	ssyncadd.s32 $0xFFFFE000  }
0x5c: {  	[tilespmem:s8], [sflag:$0x2] =	stream.indirect.gather [hbm4b:s5+s6], $0x40, s18, s6, $0xb8;
	[tilespmem:$0x1C000] =	vst v63  }
0x5d: {  	_ =	swait.ge [sflag:s14], $0x2000  }
0x5e: {  	[sflag:s14] =	ssyncset.done $0x0  }
0x5f: {  	s18 =	sadd.s32 $0x5100, s17;
	[sflag:s14] =	ssyncadd.s32 $0xFFFFE000  }
0x60: {  	[spmem:s2] =	stream.indirect.scatter.add.f32 [tilespmem:s10], [sflag:$0x5], $0x40, s18, s6, $0xb8;
	[tilespmem:$0x1C000] =	vst v63  }
0x61: {  	_ =	swait.ge [sflag:s4], $0x2000  }
0x62: {  	[sflag:s4] =	ssyncset.done $0x0  }
0x63: {  	s18 =	sadd.s32 $0x300, s17;
	[sflag:s4] =	ssyncadd.s32 $0xFFFFE000  }
0x64: {  	[tilespmem:s10], [sflag:$0x3] =	stream.indirect.gather [hbm4b:s5+s6], $0x40, s18, s6, $0xb8;
	[tilespmem:$0x1C000] =	vst v63  }
0x65: {  	_ =	swait.ge [sflag:s15], $0x2000  }
0x66: {  	[sflag:s15] =	ssyncset.done $0x0  }
.Ltmp0:
0x67: {  	s18 =	sadd.s32 $0x5180, s17;
	[sflag:s15] =	ssyncadd.s32 $0xFFFFE000;
	(pc) =	sbr.rel @p0 .LBB2_1-.Ltmp0, $4  }
0x68: {  	[spmem:s2] =	stream.indirect.scatter.add.f32 [tilespmem:s11], [sflag:$0x5], $0x40, s18, s6, $0xb8;
	[tilespmem:$0x1C000] =	vst v63  }
0x69: {  	_ =	swait.ge [sflag:s4], $0x2000  }
0x6a: {  	[sflag:s4] =	ssyncset.done $0x0  }
0x6b: {  	s17 =	sadd.s32 $0x380, s17;
	[sflag:s4] =	ssyncadd.s32 $0xFFFFE000  }
0x6c: {  	[tilespmem:s11], [sflag:$0x4] =	stream.indirect.gather [hbm4b:s5+s6], $0x40, s17, s6, $0xb8;
	[tilespmem:$0x1C000] =	vst v63  }
0x6d: {  	s4 =	simm.s32 $0x1  }
0x6e: {  	_ =	swait.ge [sflag:s4], $0x2000  }
0x6f: {  	s15 =	simm.s32 $0x80;
	s16 =	simm.s32 $0x9E00;
	[sflag:s4] =	ssyncset.done $0x0  }
0x70: {  	s17 =	simm.s32 $0xA000;
	s18 =	simm.s32 $0x5;
	[sflag:s4] =	ssyncadd.s32 $0xFFFFE000  }
0x71: {  	[spmem:s2] =	stream.indirect.scatter.add.f32 [tilespmem:s17], [sflag:$0x5], $0x40, s16, s15, $0xb8;
	[tilespmem:$0x1C000] =	vst v63  }
0x72: {  	_ =	swait.ge [sflag:s18], $0x2000  }
0x73: {  	[sflag:s18] =	ssyncset.done $0x0  }
0x74: {  	s19 =	simm.s32 $0x2;
	[sflag:s18] =	ssyncadd.s32 $0xFFFFE000  }
0x75: {  	_ =	swait.ge [sflag:s19], $0x2000  }
0x76: {  	[sflag:s19] =	ssyncset.done $0x0  }
0x77: {  	s20 =	simm.s32 $0x9E80;
	s7 =	simm.s32 $0xC000;
	[sflag:s19] =	ssyncadd.s32 $0xFFFFE000  }
0x78: {  	[spmem:s2] =	stream.indirect.scatter.add.f32 [tilespmem:s7], [sflag:$0x5], $0x40, s20, s15, $0xb8;
	[tilespmem:$0x1C000] =	vst v63  }
0x79: {  	_ =	swait.ge [sflag:s18], $0x2000  }
0x7a: {  	[sflag:s18] =	ssyncset.done $0x0  }
0x7b: {  	s21 =	simm.s32 $0x3;
	[sflag:s18] =	ssyncadd.s32 $0xFFFFE000  }
0x7c: {  	_ =	swait.ge [sflag:s21], $0x2000  }
0x7d: {  	[sflag:s21] =	ssyncset.done $0x0  }
0x7e: {  	s22 =	simm.s32 $0x9F00;
	s23 =	simm.s32 $0xE000;
	[sflag:s21] =	ssyncadd.s32 $0xFFFFE000  }
0x7f: {  	[spmem:s2] =	stream.indirect.scatter.add.f32 [tilespmem:s23], [sflag:$0x5], $0x40, s22, s15, $0xb8;
	[tilespmem:$0x1C000] =	vst v63  }
0x80: {  	_ =	swait.ge [sflag:s18], $0x2000  }
0x81: {  	[sflag:s18] =	ssyncset.done $0x0  }
0x82: {  	s24 =	simm.s32 $0x4;
	[sflag:s18] =	ssyncadd.s32 $0xFFFFE000  }
0x83: {  	_ =	swait.ge [sflag:s24], $0x2000  }
0x84: {  	[sflag:s24] =	ssyncset.done $0x0  }
0x85: {  	s25 =	simm.s32 $0x9F80;
	s26 =	simm.s32 $0x10000;
	[sflag:s24] =	ssyncadd.s32 $0xFFFFE000  }
0x86: {  	[spmem:s2] =	stream.indirect.scatter.add.f32 [tilespmem:s26], [sflag:$0x5], $0x40, s25, s15, $0xb8;
	[tilespmem:$0x1C000] =	vst v63  }
0x87: {  	s28 =	smul.u32 $0xA000, s1;
	_ =	swait.ge [sflag:s18], $0x2000  }
0x88: {  	[sflag:s18] =	ssyncset.done $0x0  }
0x89: {  	s29 =	sshrl.u32 s28, $0x3;
	s30 =	sadd.s32 s28, s2;
	[sflag:s18] =	ssyncadd.s32 $0xFFFFE000  }
0x8a: {  	s31 =	sadd.s32 s9, s29;
	s2 =	sshrl.u32 s30, $0x3;
	[bflag:$0x0] =	sbarrier.arrive $0xFFFF  }
0x8b: {  	[hbm:s31], [sflag:s3] =	dma.local [spmem:s2], $0x1400  }
0x8c: {  	_ =	swait.ge [sflag:s18], $0x1400  }
0x8d: {  	[sflag:s18] =	ssyncset.done $0x0  }
0x8e: {  	[sflag:s18] =	ssyncadd.s32 $0xFFFFEC00  }
0x8f: {  	_ =	sfence.sel $0x180000  }
0x90: {  	[bflag:$0x0] =	sbarrier.arrive $0xFFFF  }
0x91: {  	p0 =	sne.s32 s1, $0x0;
	_ =	strace $0x9000004A  }
0x92: {  	s0 =	sadd.s32 @!p0 $0x100000, s0;
	[bflag:$0x2] =	sbarrier.arrive $0xFFFF  }
0x93: {  	[sflag:s0] =	ssyncadd.tile.s32 @!p0 $0x1;
	_ =	shalt  }
.Lfunc_end2:
_tile_overlayer_lowered:
.L_overlay_start_2:
0x94: {  	(tag) =	ssettag $0x2  }
0x95: {  	s0 =	rddreg [dreg:$0x0];
	s2 =	stileid.u32  }
0x96: {  	s1 =	rddreg [dreg:$0x1];
	p0 =	sne.s32 s2, $0x0  }
0x97: {  	s3 =	rddreg [dreg:$0x2];
	[bflag:$0x3] =	sbarrier.arrive $0xFFFF;
	s2 =	simm.s32 @!p0 $0x1C05  }
0x98: {  	[timem:s3], [sflag:s2] =	dma.local @!p0 [hbm:s0], s1  }
0x99: {  	s0 =	simm.s32 @!p0 $0x5  }
0x9a: {  	_ =	swait.ge @!p0 [sflag:s0], s1  }
0x9b: {  	s1 =	ssub.s32 @!p0 $0x0, s1;
	[sflag:s0] =	ssyncset.done @!p0 $0x0  }
0x9c: {  	[sflag:s0] =	ssyncadd.s32 @!p0 s1  }
0x9d: {  	[bflag:$0x3] =	sbarrier.arrive $0xFFFF  }
0x9e: {  	_ =	shalt  }

// kernel: kernel.15.cloned.1.call-start
scs
__scs_entry_jumppad:
0x0: {  	(pc) =	sbr.rel $0x88, $3  }
0x1: {  	(tag) =	ssettag $0x0;
	lr =	simm.s32 $0x1  }
0x2: {  	[smem:$0x3F9B] =	sst lr;
	_ =	strace $0xD0000000  }
0x3: {  	_ = 	snop  }
0x4: {  	_ = 	snop  }
0x5: {  	_ = 	snop  }
0x6: {  	_ = 	snop  }
0x7: {  	_ = 	snop  }
__scs_overlays_trampoline_lowered:
0x8: {  	[smem:$0x3FAA] =	sst s0  }
0x9: {  	[smem:$0x3FAB] =	sst s1  }
0xa: {  	[smem:$0x3FAC] =	sst s2  }
0xb: {  	[smem:$0x3FAD] =	sst s3  }
0xc: {  	[smem:$0x3FAE] =	sst s4  }
0xd: {  	[smem:$0x3FAF] =	sst s5  }
0xe: {  	[smem:$0x3FB0] =	sst s6  }
0xf: {  	[smem:$0x3FB1] =	sst s7  }
0x10: {  	[smem:$0x3FB2] =	sst s8  }
0x11: {  	[smem:$0x3FB3] =	sst s9;
	s0 =	simm.s32 @!p0 $0x0  }
0x12: {  	s1 =	sld [smem:$0x3F99];
	s0 =	simm.s32 @p0 $0x1  }
0x13: {  	[smem:$0x3FB4] =	sst s0;
	s0 =	simm.s32 @!p1 $0x0  }
0x14: {  	s2 =	sld [smem:$0x3F98];
	s0 =	simm.s32 @p1 $0x1  }
0x15: {  	[smem:$0x3FB5] =	sst s0;
	s0 =	simm.s32 @!p2 $0x0  }
0x16: {  	s3 =	sld [smem:$0x3FDB];
	s0 =	simm.s32 @p2 $0x1  }
0x17: {  	s4 =	simm.s32 $0x1BF5;
	[smem:$0x3FB7] =	sst s0  }
0x18: {  	s0 =	sld [smem:$0x3F9A];
	_ =	swait.ge [sflag:s4], $0x0  }
0x19: {  	s7 =	sld [smem:$0x3F9B]  }
0x1a: {  	s8 =	sadd.s32 $0xFFFFE003, lr  }
0x1b: {  	s9 =	sadd.s32 $0xFFFFFEF7, lr;
	s5 =	simm.s32 $0xFFFFFFFF;
	p2 =	slt.u32 s8, $0xFFFFF086  }
0x1c: {  	p1 =	slt.u32 s9, $0xF7A;
	s5 =	simm.s32 @!p2 $0x0  }
0x1d: {  	s5 =	simm.s32 @p1 $0x1;
	p0 =	seq.s32 s7, s2  }
0x1e: {  	s7 =	smul.u32 @!p0 $0xF7A, s2;
	p2 =	seq.s32 @!p0 s5, $0x0  }
0x1f: {  	s9 =	smul.u32 $0xF7A, s1;
	s8 =	simm.s32 @!p0 $0x1BF5;
	p2 =	por !p2, p0  }
0x20: {  	[sflag:s8] =	ssyncset.s32 @!p0 $0xFFFFF086;
	s6 =	sadd.s32 @!p0 s3, s7;
	s7 =	simm.s32 @!p0 $0x108  }
0x21: {  	s3 =	sadd.s32 s3, s9;
	s6 =	sadd.s32 @!p0 $0x88, s6;
	s7 =	simm.s32 @p2 $0x1082  }
0x22: {  	[simem:s7], [sflag:s8] =	dma.local @!p0 [hbm:s6], $0xF7A  }
0x23: {  	s9 =	sor.u32 $0xD0000000, s2;
	s6 =	simm.s32 $0x108;
	_ =	swait.ge @!p0 [sflag:s8], $0x0  }
0x24: {  	s3 =	sadd.s32 $0x88, s3;
	s6 =	simm.s32 @!p1 $0x1082;
	[sflag:s4] =	ssyncset.s32 $0xFFFFF086  }
0x25: {  	[simem:s6], [sflag:s4] =	dma.local [hbm:s3], $0xF7A  }
0x26: {  	[smem:$0x3F9B] =	sst s1;
	(tag) =	ssettag s2;
	_ =	strace s9  }
0x27: {  	s1 =	sld [smem:$0x3FAB]  }
0x28: {  	s2 =	sld [smem:$0x3FAC]  }
0x29: {  	s4 =	sld [smem:$0x3FAE]  }
0x2a: {  	p0 =	seq.s32 s5, $0x0;
	s5 =	sld [smem:$0x3FAF]  }
0x2b: {  	s6 =	sld [smem:$0x3FB0]  }
0x2c: {  	s7 =	sld [smem:$0x3FB1]  }
0x2d: {  	s3 =	simm.s32 $0x108;
	s8 =	sld [smem:$0x3FB2]  }
0x2e: {  	s3 =	simm.s32 @!p0 $0x1082;
	s9 =	sld [smem:$0x3FB3]  }
0x2f: {  	lr =	sadd.s32 s0, s3;
	s0 =	sld [smem:$0x3FAA]  }
0x30: {  	s3 =	sld [smem:$0x3FAD]  }
0x31: {  	[smem:$0x3FB6] =	sst s10  }
0x32: {  	s10 =	sld [smem:$0x3FB4];
	_ =	sdelay $0x3  }
0x33: {  	p0 =	seq.s32 s10, $0x1;
	s10 =	sld [smem:$0x3FB6];
	_ =	sdelay $0x3  }
0x34: {  	[smem:$0x3FB6] =	sst s10  }
0x35: {  	s10 =	sld [smem:$0x3FB5];
	_ =	sdelay $0x3  }
0x36: {  	p1 =	seq.s32 s10, $0x1;
	s10 =	sld [smem:$0x3FB6];
	_ =	sdelay $0x3  }
0x37: {  	[smem:$0x3FB6] =	sst s10  }
0x38: {  	s10 =	sld [smem:$0x3FB7]  }
0x39: {  	_ = 	snop;
	(pc) =	sbr.ind lr, $3  }
0x3a: {  	_ = 	snop  }
0x3b: {  	_ = 	snop  }
0x3c: {  	p2 =	seq.s32 s10, $0x1;
	s10 =	sld [smem:$0x3FB6]  }
0x3d: {  	_ =	shalt  }
0x3e: {  	_ =	shalt  }
0x3f: {  	_ =	shalt  }
0x40: {  	_ =	shalt  }
0x41: {  	_ =	shalt  }
0x42: {  	_ =	shalt  }
0x43: {  	_ =	shalt  }
0x44: {  	_ =	shalt  }
0x45: {  	_ =	shalt  }
0x46: {  	_ =	shalt  }
0x47: {  	_ =	shalt  }
0x48: {  	_ =	shalt  }
0x49: {  	_ =	shalt  }
0x4a: {  	_ =	shalt  }
0x4b: {  	_ =	shalt  }
0x4c: {  	_ =	shalt  }
0x4d: {  	_ =	shalt  }
0x4e: {  	_ =	shalt  }
0x4f: {  	_ =	shalt  }
0x50: {  	_ =	shalt  }
0x51: {  	_ =	shalt  }
0x52: {  	_ =	shalt  }
0x53: {  	_ =	shalt  }
0x54: {  	_ =	shalt  }
0x55: {  	_ =	shalt  }
0x56: {  	_ =	shalt  }
0x57: {  	_ =	shalt  }
0x58: {  	_ =	shalt  }
0x59: {  	_ =	shalt  }
0x5a: {  	_ =	shalt  }
0x5b: {  	_ =	shalt  }
0x5c: {  	_ =	shalt  }
0x5d: {  	_ =	shalt  }
0x5e: {  	_ =	shalt  }
0x5f: {  	_ =	shalt  }
0x60: {  	_ =	shalt  }
0x61: {  	_ =	shalt  }
0x62: {  	_ =	shalt  }
0x63: {  	_ =	shalt  }
0x64: {  	_ =	shalt  }
0x65: {  	_ =	shalt  }
0x66: {  	_ =	shalt  }
0x67: {  	_ =	shalt  }
0x68: {  	_ =	shalt  }
0x69: {  	_ =	shalt  }
0x6a: {  	_ =	shalt  }
0x6b: {  	_ =	shalt  }
0x6c: {  	_ =	shalt  }
0x6d: {  	_ =	shalt  }
0x6e: {  	_ =	shalt  }
0x6f: {  	_ =	shalt  }
0x70: {  	_ =	shalt  }
0x71: {  	_ =	shalt  }
0x72: {  	_ =	shalt  }
0x73: {  	_ =	shalt  }
0x74: {  	_ =	shalt  }
0x75: {  	_ =	shalt  }
0x76: {  	_ =	shalt  }
0x77: {  	_ =	shalt  }
0x78: {  	_ =	shalt  }
0x79: {  	_ =	shalt  }
0x7a: {  	_ =	shalt  }
0x7b: {  	_ =	shalt  }
0x7c: {  	_ =	shalt  }
0x7d: {  	_ =	shalt  }
0x7e: {  	_ =	shalt  }
0x7f: {  	_ =	shalt  }
0x80: {  	_ =	shalt  }
0x81: {  	_ =	shalt  }
0x82: {  	_ =	shalt  }
0x83: {  	_ =	shalt  }
0x84: {  	_ =	shalt  }
0x85: {  	_ =	shalt  }
0x86: {  	_ =	shalt  }
0x87: {  	_ =	shalt  }
.Lfunc_end0:
.L_simem_size_0:
called_computation.2_lowered:
.L_overlay_start_0:
0x88: {  	s0 =	sld [smem:$0x3FD9]  }
0x89: {  	s1 =	sld [smem:$0x3FFE];
	_ =	sdelay $0x3  }
0x8a: {  	s0 =	sadd.s32 s1, s0  }
0x8b: {  	[smem:$0x3FC2] =	sst s0  }
0x8c: {  	_ = 	snop  }
0x8d: {  	s0 =	sld [smem:$0x3FD0];
	(tm) =	ssettm $0x1  }
0x8e: {  	s16 =	sld [smem:$0x3FFB];
	_ =	sdelay $0x3  }
0x8f: {  	_ =	strace s16  }
0x90: {  	s1 =	sld [smem:$0x3FFC];
	_ =	sdelay $0x3  }
0x91: {  	_ =	strace s1  }
0x92: {  	s1 =	sld [smem:$0x3FFD];
	_ =	sdelay $0x3  }
0x93: {  	_ =	strace s1  }
0x94: {  	_ =	strace $0x8FFFFFFF  }
0x95: {  	s17 =	sld [smem:$0x3FDB];
	_ =	sdelay $0x1  }
0x96: {  	s2 =	simm.s32 $_scs_section_size  }
0x97: {  	s3 =	simm.s32 $_size__tile_overlayer_lowered;
	s4 =	simm.s32 $_tile_overlayer_lowered  }
0x98: {  	s20 =	simm.s32 $0x1BFF;
	s19 =	sshll.u32 s4, $0x1;
	s1 =	sadd.s32 s2, s17  }
0x99: {  	s5 =	simm.s32 $0x0;
	s18 =	sshll.u32 s3, $0x1;
	s3 =	sadd.s32 s19, s1  }
0x9a: {  	[timem:s5], [sflag:s20] =	dma.local [hbm:s3], s18  }
0x9b: {  	_ =	swait.ge [sflag:s20], s18  }
0x9c: {  	s2 =	ssub.s32 $0x0, s18;
	[sflag:s20] =	ssyncset.done $0x0  }
0x9d: {  	[sflag:s20] =	ssyncadd.s32 s2;
	_ =	sdelay $0x1  }
0x9e: {  	s21 =	simm.s32 $0x1B8B  }
0x9f: {  	_ =	swait.ge [sflag:s21], $0x1  }
0xa0: {  	[sflag:s21] =	ssyncset.done $0x0  }
0xa1: {  	s23 =	simm.s32 $0x1B8E;
	s22 =	sld [smem:$0x3FFE];
	[sflag:s21] =	ssyncadd.s32 $0xFFFFFFFF  }
0xa2: {  	s24 =	simm.s32 $execute0_lowered;
	[smem:$0x3FD2] =	sst s23  }
0xa3: {  	s3 =	sshll.u32 s24, $0x1;
	_ =	strace $0x8000004C;
	[dreg:$0x1] =	wrdreg $0xFFFFFFFF  }
0xa4: {  	s25 =	simm.s32 $_size_execute0_lowered;
	s1 =	sadd.s32 s1, s3;
	[dreg:$0x0] =	wrdreg $0x0  }
0xa5: {  	s3 =	sshll.u32 s25, $0x1;
	[dreg:$0x2] =	wrdreg s1  }
0xa6: {  	[dreg:$0x3] =	wrdreg s3  }
0xa7: {  	[dreg:$0x4] =	wrdreg $0xC0  }
0xa8: {  	_ =	task [dreg:s5], $0x5FFFF  }
0xa9: {  	[dreg:$0x1] =	wrdreg $0xFFFFFFFF  }
0xaa: {  	[dreg:$0x0] =	wrdreg $0x60  }
0xab: {  	[dreg:$0x2] =	wrdreg s22  }
0xac: {  	[dreg:$0x3] =	wrdreg s0  }
0xad: {  	[dreg:$0x4] =	wrdreg $0x100000  }
0xae: {  	[dreg:$0x5] =	wrdreg $0x9  }
0xaf: {  	_ =	task.clear_ibuf [dreg:s5], $0x6FFFF;
	_ =	strace $0x9000004C  }
0xb0: {  	s26 =	simm.s32 $0x9;
	_ =	strace $0x8000004E  }
0xb1: {  	_ =	swait.ge [sflag:s26], $0x1  }
0xb2: {  	[sflag:s26] =	ssyncadd.s32 $0xFFFFFFFF  }
0xb3: {  	_ =	strace $0x9000004E  }
0xb4: {  	_ =	sfence  }
0xb5: {  	s28 =	sld [smem:$0x0];
	_ =	sdelay $0x1  }
0xb6: {  	s29 =	srdreg.scid  }
0xb7: {  	s30 =	sshll.u32 s29, $0xD;
	s31 =	sshrl.u32 s29, $0x2  }
0xb8: {  	s2 =	sand.u32 $0x4000, s30;
	s1 =	sand.u32 $0x1, s29;
	s0 =	sadd.s32 s31, s28  }
0xb9: {  	s1 =	sor.u32 s2, s1;
	s0 =	sshll.u32 s0, $0x11  }
0xba: {  	s0 =	sor.u32 s0, s1  }
0xbb: {  	s0 =	sadd.s32 $0x8F2B, s0  }
0xbc: {  	[sflag:s0] =	ssyncadd.remote.s32 $0x1  }
0xbd: {  	_ =	sfence.sel $0xFFFF  }
0xbe: {  	[dreg:$0x0] =	wrdreg $0xFFFFFFFF;
	(pc) =	sbr.abs _section_cstart, $3  }
0xbf: {  	[dreg:$0x1] =	wrdreg $0xFFFFFFFF  }
0xc0: {  	_ =	task.clear_ibuf [dreg:s5], $0x2FFFF;
	_ =	strace $0x9FFFFFFF  }
0xc1: {  	(tm) =	ssettm $0x7FFFFFFF  }
tec
execute0_lowered:
.L_overlay_start_1:
0x0: {  	(tag) =	ssettag $0x1  }
0x1: {  	s9 =	rddreg [dreg:$0x0]  }
0x2: {  	s3 =	rddreg [dreg:$0x1]  }
0x3: {  	s2 =	rddreg [dreg:$0x2];
	s1 =	stileid.u32  }
0x4: {  	s0 =	rddreg [dreg:$0x3];
	s8 =	simm.s32 $0x0;
	s5 =	smul.u32 $0xA00, s1  }
0x5: {  	[smem:$0x7FF] =	sst s8  }
0x6: {  	s4 =	simm.s32 $0x5;
	_ =	strace $0x8000004D;
	s3 =	sadd.s32 s3, s5  }
0x7: {  	[tilespmem:s8], [sflag:$0x5] =	stream.linear.gather [hbm4b:s3+s8], $0x5000, $0x38;
	[tilespmem:$0x17800] =	vst v63  }
0x8: {  	_ =	swait.ge [sflag:s4], $0x5000  }
0x9: {  	s19 =	simm.s32 $0x5000;
	s18 =	sadd.s32 s5, s9;
	[sflag:s4] =	ssyncset.done $0x0  }
0xa: {  	s6 =	smul.u32 $0x1E000, s1;
	s3 =	sadd.s32 $0x1A00, s18;
	[sflag:s4] =	ssyncadd.s32 $0xFFFFB000  }
0xb: {  	[tilespmem:s19], [sflag:$0x5] =	stream.linear.gather [hbm4b:s3+s8], $0x5000, $0x38;
	[tilespmem:$0x17800] =	vst v63  }
0xc: {  	s20 =	sadd.s32 $0x1AA00, s9;
	s21 =	sshrl.u32 s6, $0x2;
	_ =	swait.ge [sflag:s4], $0x5000  }
0xd: {  	s22 =	sshll.u32 s1, $0x6;
	s7 =	sadd.s32 s21, s2;
	[sflag:s4] =	ssyncset.done $0x0  }
0xe: {  	s23 =	sshrl.u32 s7, $0x3;
	s3 =	sor.u32 $0x1C05, s22;
	[sflag:s4] =	ssyncadd.s32 $0xFFFFB000  }
0xf: {  	[spmem:s23], [sflag:s3] =	dma.local [hbm:s20], $0x300  }
0x10: {  	_ =	swait.ge [sflag:s4], $0x300  }
0x11: {  	s24 =	sadd.s32 $0x1800, s7;
	[sflag:s4] =	ssyncset.done $0x0  }
0x12: {  	s6 =	sshrl.u32 s24, $0x3;
	[sflag:s4] =	ssyncadd.s32 $0xFFFFFD00  }
0x13: {  	[spmem:s6], [sflag:s3] =	dma.local [hbm:s20], $0x300  }
0x14: {  	_ =	swait.ge [sflag:s4], $0x300  }
0x15: {  	s25 =	sadd.s32 $0x3000, s7;
	[sflag:s4] =	ssyncset.done $0x0  }
0x16: {  	s6 =	sshrl.u32 s25, $0x3;
	[sflag:s4] =	ssyncadd.s32 $0xFFFFFD00  }
0x17: {  	[spmem:s6], [sflag:s3] =	dma.local [hbm:s20], $0x300  }
0x18: {  	_ =	swait.ge [sflag:s4], $0x300  }
0x19: {  	s26 =	sadd.s32 $0x4800, s7;
	[sflag:s4] =	ssyncset.done $0x0  }
0x1a: {  	s6 =	sshrl.u32 s26, $0x3;
	[sflag:s4] =	ssyncadd.s32 $0xFFFFFD00  }
0x1b: {  	[spmem:s6], [sflag:s3] =	dma.local [hbm:s20], $0x300  }
0x1c: {  	_ =	swait.ge [sflag:s4], $0x300  }
0x1d: {  	s28 =	sadd.s32 $0x6000, s7;
	[sflag:s4] =	ssyncset.done $0x0  }
0x1e: {  	s6 =	sshrl.u32 s28, $0x3;
	[sflag:s4] =	ssyncadd.s32 $0xFFFFFD00  }
0x1f: {  	[spmem:s6], [sflag:s3] =	dma.local [hbm:s20], $0x300  }
0x20: {  	_ =	swait.ge [sflag:s4], $0x300  }
0x21: {  	[sflag:s4] =	ssyncset.done $0x0  }
0x22: {  	s5 =	sadd.s32 $0xBA00, s9;
	[sflag:s4] =	ssyncadd.s32 $0xFFFFFD00  }
0x23: {  	s7 =	simm.s32 $0xA000;
	s6 =	simm.s32 $0x80;
	[bflag:$0x0] =	sbarrier.arrive $0xFFFF  }
0x24: {  	[tilespmem:s7], [sflag:$0x1] =	stream.indirect.gather [hbm4b:s5+s6], $0x30, s8, s6, $0xb8;
	[tilespmem:$0x17800] =	vst v63  }
0x25: {  	s8 =	simm.s32 $0xB800  }
0x26: {  	[tilespmem:s8], [sflag:$0x2] =	stream.indirect.gather [hbm4b:s5+s6], $0x30, s6, s6, $0xb8;
	[tilespmem:$0x17800] =	vst v63  }
0x27: {  	s11 =	simm.s32 $0x100;
	s10 =	simm.s32 $0xD000  }
0x28: {  	[tilespmem:s10], [sflag:$0x3] =	stream.indirect.gather [hbm4b:s5+s6], $0x30, s11, s6, $0xb8;
	[tilespmem:$0x17800] =	vst v63  }
0x29: {  	s12 =	simm.s32 $0x180;
	s11 =	simm.s32 $0xE800  }
0x2a: {  	[tilespmem:s11], [sflag:$0x4] =	stream.indirect.gather [hbm4b:s5+s6], $0x30, s12, s6, $0xb8;
	[tilespmem:$0x17800] =	vst v63  }
0x2b: {  	s12 =	simm.s32 $0x1  }
0x2c: {  	_ =	swait.ge [sflag:s12], $0x1800  }
0x2d: {  	[sflag:s12] =	ssyncset.done $0x0  }
0x2e: {  	s13 =	simm.s32 $0x5000;
	[sflag:s12] =	ssyncadd.s32 $0xFFFFE800  }
0x2f: {  	[spmem:s2] =	stream.indirect.scatter.add.f32 [tilespmem:s7], [sflag:$0x5], $0x30, s13, s6, $0xb8;
	[tilespmem:$0x17800] =	vst v63  }
0x30: {  	_ =	swait.ge [sflag:s4], $0x1800  }
0x31: {  	[sflag:s4] =	ssyncset.done $0x0  }
0x32: {  	s14 =	simm.s32 $0x200;
	s13 =	simm.s32 $0x2;
	[sflag:s4] =	ssyncadd.s32 $0xFFFFE800  }
0x33: {  	[tilespmem:s7], [sflag:$0x1] =	stream.indirect.gather [hbm4b:s5+s6], $0x30, s14, s6, $0xb8;
	[tilespmem:$0x17800] =	vst v63  }
0x34: {  	_ =	swait.ge [sflag:s13], $0x1800  }
0x35: {  	[sflag:s13] =	ssyncset.done $0x0  }
0x36: {  	s29 =	simm.s32 $0x5080;
	[sflag:s13] =	ssyncadd.s32 $0xFFFFE800  }
0x37: {  	[spmem:s2] =	stream.indirect.scatter.add.f32 [tilespmem:s8], [sflag:$0x5], $0x30, s29, s6, $0xb8;
	[tilespmem:$0x17800] =	vst v63  }
0x38: {  	_ =	swait.ge [sflag:s4], $0x1800  }
0x39: {  	[sflag:s4] =	ssyncset.done $0x0  }
0x3a: {  	s15 =	simm.s32 $0x280;
	s14 =	simm.s32 $0x3;
	[sflag:s4] =	ssyncadd.s32 $0xFFFFE800  }
0x3b: {  	[tilespmem:s8], [sflag:$0x2] =	stream.indirect.gather [hbm4b:s5+s6], $0x30, s15, s6, $0xb8;
	[tilespmem:$0x17800] =	vst v63  }
0x3c: {  	_ =	swait.ge [sflag:s14], $0x1800  }
0x3d: {  	[sflag:s14] =	ssyncset.done $0x0  }
0x3e: {  	s30 =	simm.s32 $0x5100;
	[sflag:s14] =	ssyncadd.s32 $0xFFFFE800  }
0x3f: {  	[spmem:s2] =	stream.indirect.scatter.add.f32 [tilespmem:s10], [sflag:$0x5], $0x30, s30, s6, $0xb8;
	[tilespmem:$0x17800] =	vst v63  }
0x40: {  	_ =	swait.ge [sflag:s4], $0x1800  }
0x41: {  	[sflag:s4] =	ssyncset.done $0x0  }
0x42: {  	s16 =	simm.s32 $0x300;
	s15 =	simm.s32 $0x4;
	[sflag:s4] =	ssyncadd.s32 $0xFFFFE800  }
0x43: {  	[tilespmem:s10], [sflag:$0x3] =	stream.indirect.gather [hbm4b:s5+s6], $0x30, s16, s6, $0xb8;
	[tilespmem:$0x17800] =	vst v63  }
0x44: {  	_ =	swait.ge [sflag:s15], $0x1800  }
0x45: {  	[sflag:s15] =	ssyncset.done $0x0  }
0x46: {  	s31 =	simm.s32 $0x5180;
	[sflag:s15] =	ssyncadd.s32 $0xFFFFE800  }
0x47: {  	[spmem:s2] =	stream.indirect.scatter.add.f32 [tilespmem:s11], [sflag:$0x5], $0x30, s31, s6, $0xb8;
	[tilespmem:$0x17800] =	vst v63  }
0x48: {  	_ =	swait.ge [sflag:s4], $0x1800  }
0x49: {  	s17 =	simm.s32 $0x380;
	[sflag:s4] =	ssyncset.done $0x0  }
0x4a: {  	s9 =	sadd.s32 $0x1AE00, s9;
	s16 =	simm.s32 $0x800;
	[sflag:s4] =	ssyncadd.s32 $0xFFFFE800  }
.LBB2_1:
0x4b: {  	[tilespmem:s11], [sflag:$0x4] =	stream.indirect.gather [hbm4b:s5+s6], $0x30, s17, s6, $0xb8;
	[tilespmem:$0x17800] =	vst v63  }
0x4c: {  	s17 =	smov.u32 s16  }
0x4d: {  	p0 =	sne.s32 s16, $0x13000;
	s16 =	sadd.s32 $0x800, s16;
	_ =	swait.ge [sflag:s12], $0x1800  }
0x4e: {  	s17 =	sshra.s32 s17, $0x2;
	[sflag:s12] =	ssyncset.done $0x0  }
0x4f: {  	s18 =	sadd.s32 $0x5000, s17;
	[sflag:s12] =	ssyncadd.s32 $0xFFFFE800  }
0x50: {  	[spmem:s2] =	stream.indirect.scatter.add.f32 [tilespmem:s7], [sflag:$0x5], $0x30, s18, s6, $0xb8;
	[tilespmem:$0x17800] =	vst v63  }
0x51: {  	_ =	swait.ge [sflag:s4], $0x1800  }
0x52: {  	[sflag:s4] =	ssyncset.done $0x0  }
0x53: {  	s18 =	sadd.s32 $0x200, s17;
	[sflag:s4] =	ssyncadd.s32 $0xFFFFE800  }
0x54: {  	[tilespmem:s7], [sflag:$0x1] =	stream.indirect.gather [hbm4b:s5+s6], $0x30, s18, s6, $0xb8;
	[tilespmem:$0x17800] =	vst v63  }
0x55: {  	_ =	swait.ge [sflag:s13], $0x1800  }
0x56: {  	[sflag:s13] =	ssyncset.done $0x0  }
0x57: {  	s18 =	sadd.s32 $0x5080, s17;
	[sflag:s13] =	ssyncadd.s32 $0xFFFFE800  }
0x58: {  	[spmem:s2] =	stream.indirect.scatter.add.f32 [tilespmem:s8], [sflag:$0x5], $0x30, s18, s6, $0xb8;
	[tilespmem:$0x17800] =	vst v63  }
0x59: {  	_ =	swait.ge [sflag:s4], $0x1800  }
0x5a: {  	[sflag:s4] =	ssyncset.done $0x0  }
0x5b: {  	s18 =	sadd.s32 $0x280, s17;
	[sflag:s4] =	ssyncadd.s32 $0xFFFFE800  }
0x5c: {  	[tilespmem:s8], [sflag:$0x2] =	stream.indirect.gather [hbm4b:s5+s6], $0x30, s18, s6, $0xb8;
	[tilespmem:$0x17800] =	vst v63  }
0x5d: {  	_ =	swait.ge [sflag:s14], $0x1800  }
0x5e: {  	[sflag:s14] =	ssyncset.done $0x0  }
0x5f: {  	s18 =	sadd.s32 $0x5100, s17;
	[sflag:s14] =	ssyncadd.s32 $0xFFFFE800  }
0x60: {  	[spmem:s2] =	stream.indirect.scatter.add.f32 [tilespmem:s10], [sflag:$0x5], $0x30, s18, s6, $0xb8;
	[tilespmem:$0x17800] =	vst v63  }
0x61: {  	_ =	swait.ge [sflag:s4], $0x1800  }
0x62: {  	[sflag:s4] =	ssyncset.done $0x0  }
0x63: {  	s18 =	sadd.s32 $0x300, s17;
	[sflag:s4] =	ssyncadd.s32 $0xFFFFE800  }
0x64: {  	[tilespmem:s10], [sflag:$0x3] =	stream.indirect.gather [hbm4b:s5+s6], $0x30, s18, s6, $0xb8;
	[tilespmem:$0x17800] =	vst v63  }
0x65: {  	_ =	swait.ge [sflag:s15], $0x1800  }
0x66: {  	[sflag:s15] =	ssyncset.done $0x0  }
.Ltmp0:
0x67: {  	s18 =	sadd.s32 $0x5180, s17;
	[sflag:s15] =	ssyncadd.s32 $0xFFFFE800;
	(pc) =	sbr.rel @p0 .LBB2_1-.Ltmp0, $4  }
0x68: {  	[spmem:s2] =	stream.indirect.scatter.add.f32 [tilespmem:s11], [sflag:$0x5], $0x30, s18, s6, $0xb8;
	[tilespmem:$0x17800] =	vst v63  }
0x69: {  	_ =	swait.ge [sflag:s4], $0x1800  }
0x6a: {  	[sflag:s4] =	ssyncset.done $0x0  }
0x6b: {  	s17 =	sadd.s32 $0x380, s17;
	[sflag:s4] =	ssyncadd.s32 $0xFFFFE800  }
0x6c: {  	[tilespmem:s11], [sflag:$0x4] =	stream.indirect.gather [hbm4b:s5+s6], $0x30, s17, s6, $0xb8;
	[tilespmem:$0x17800] =	vst v63  }
0x6d: {  	s4 =	simm.s32 $0x1  }
0x6e: {  	_ =	swait.ge [sflag:s4], $0x1800  }
0x6f: {  	s15 =	simm.s32 $0x80;
	s16 =	simm.s32 $0x9E00;
	[sflag:s4] =	ssyncset.done $0x0  }
0x70: {  	s17 =	simm.s32 $0xA000;
	s18 =	simm.s32 $0x5;
	[sflag:s4] =	ssyncadd.s32 $0xFFFFE800  }
0x71: {  	[spmem:s2] =	stream.indirect.scatter.add.f32 [tilespmem:s17], [sflag:$0x5], $0x30, s16, s15, $0xb8;
	[tilespmem:$0x17800] =	vst v63  }
0x72: {  	_ =	swait.ge [sflag:s18], $0x1800  }
0x73: {  	[sflag:s18] =	ssyncset.done $0x0  }
0x74: {  	s19 =	simm.s32 $0x2;
	[sflag:s18] =	ssyncadd.s32 $0xFFFFE800  }
0x75: {  	_ =	swait.ge [sflag:s19], $0x1800  }
0x76: {  	[sflag:s19] =	ssyncset.done $0x0  }
0x77: {  	s20 =	simm.s32 $0x9E80;
	s7 =	simm.s32 $0xB800;
	[sflag:s19] =	ssyncadd.s32 $0xFFFFE800  }
0x78: {  	[spmem:s2] =	stream.indirect.scatter.add.f32 [tilespmem:s7], [sflag:$0x5], $0x30, s20, s15, $0xb8;
	[tilespmem:$0x17800] =	vst v63  }
0x79: {  	_ =	swait.ge [sflag:s18], $0x1800  }
0x7a: {  	[sflag:s18] =	ssyncset.done $0x0  }
0x7b: {  	s21 =	simm.s32 $0x3;
	[sflag:s18] =	ssyncadd.s32 $0xFFFFE800  }
0x7c: {  	_ =	swait.ge [sflag:s21], $0x1800  }
0x7d: {  	[sflag:s21] =	ssyncset.done $0x0  }
0x7e: {  	s22 =	simm.s32 $0x9F00;
	s23 =	simm.s32 $0xD000;
	[sflag:s21] =	ssyncadd.s32 $0xFFFFE800  }
0x7f: {  	[spmem:s2] =	stream.indirect.scatter.add.f32 [tilespmem:s23], [sflag:$0x5], $0x30, s22, s15, $0xb8;
	[tilespmem:$0x17800] =	vst v63  }
0x80: {  	_ =	swait.ge [sflag:s18], $0x1800  }
0x81: {  	[sflag:s18] =	ssyncset.done $0x0  }
0x82: {  	s24 =	simm.s32 $0x4;
	[sflag:s18] =	ssyncadd.s32 $0xFFFFE800  }
0x83: {  	_ =	swait.ge [sflag:s24], $0x1800  }
0x84: {  	[sflag:s24] =	ssyncset.done $0x0  }
0x85: {  	s25 =	simm.s32 $0x9F80;
	s26 =	simm.s32 $0xE800;
	[sflag:s24] =	ssyncadd.s32 $0xFFFFE800  }
0x86: {  	[spmem:s2] =	stream.indirect.scatter.add.f32 [tilespmem:s26], [sflag:$0x5], $0x30, s25, s15, $0xb8;
	[tilespmem:$0x17800] =	vst v63  }
0x87: {  	s28 =	smul.u32 $0x7800, s1;
	_ =	swait.ge [sflag:s18], $0x1800  }
0x88: {  	[sflag:s18] =	ssyncset.done $0x0  }
0x89: {  	s29 =	sshrl.u32 s28, $0x3;
	s30 =	sadd.s32 s28, s2;
	[sflag:s18] =	ssyncadd.s32 $0xFFFFE800  }
0x8a: {  	s31 =	sadd.s32 s9, s29;
	s2 =	sshrl.u32 s30, $0x3;
	[bflag:$0x0] =	sbarrier.arrive $0xFFFF  }
0x8b: {  	[hbm:s31], [sflag:s3] =	dma.local [spmem:s2], $0xF00  }
0x8c: {  	_ =	swait.ge [sflag:s18], $0xF00  }
0x8d: {  	[sflag:s18] =	ssyncset.done $0x0  }
0x8e: {  	[sflag:s18] =	ssyncadd.s32 $0xFFFFF100  }
0x8f: {  	_ =	sfence.sel $0x180000  }
0x90: {  	[bflag:$0x0] =	sbarrier.arrive $0xFFFF  }
0x91: {  	p0 =	sne.s32 s1, $0x0;
	_ =	strace $0x9000004D  }
0x92: {  	s0 =	sadd.s32 @!p0 $0x100000, s0;
	[bflag:$0x2] =	sbarrier.arrive $0xFFFF  }
0x93: {  	[sflag:s0] =	ssyncadd.tile.s32 @!p0 $0x1;
	_ =	shalt  }
.Lfunc_end2:
_tile_overlayer_lowered:
.L_overlay_start_2:
0x94: {  	(tag) =	ssettag $0x2  }
0x95: {  	s0 =	rddreg [dreg:$0x0];
	s2 =	stileid.u32  }
0x96: {  	s1 =	rddreg [dreg:$0x1];
	p0 =	sne.s32 s2, $0x0  }
0x97: {  	s3 =	rddreg [dreg:$0x2];
	[bflag:$0x3] =	sbarrier.arrive $0xFFFF;
	s2 =	simm.s32 @!p0 $0x1C05  }
0x98: {  	[timem:s3], [sflag:s2] =	dma.local @!p0 [hbm:s0], s1  }
0x99: {  	s0 =	simm.s32 @!p0 $0x5  }
0x9a: {  	_ =	swait.ge @!p0 [sflag:s0], s1  }
0x9b: {  	s1 =	ssub.s32 @!p0 $0x0, s1;
	[sflag:s0] =	ssyncset.done @!p0 $0x0  }
0x9c: {  	[sflag:s0] =	ssyncadd.s32 @!p0 s1  }
0x9d: {  	[bflag:$0x3] =	sbarrier.arrive $0xFFFF  }
0x9e: {  	_ =	shalt  }

// kernel: kernel.9.cloned.1.call-start
scs
__scs_entry_jumppad:
0x0: {  	(pc) =	sbr.rel $0x88, $3  }
0x1: {  	(tag) =	ssettag $0x0;
	lr =	simm.s32 $0x1  }
0x2: {  	[smem:$0x3F9B] =	sst lr;
	_ =	strace $0xD0000000  }
0x3: {  	_ = 	snop  }
0x4: {  	_ = 	snop  }
0x5: {  	_ = 	snop  }
0x6: {  	_ = 	snop  }
0x7: {  	_ = 	snop  }
__scs_overlays_trampoline_lowered:
0x8: {  	[smem:$0x3FAA] =	sst s0  }
0x9: {  	[smem:$0x3FAB] =	sst s1  }
0xa: {  	[smem:$0x3FAC] =	sst s2  }
0xb: {  	[smem:$0x3FAD] =	sst s3  }
0xc: {  	[smem:$0x3FAE] =	sst s4  }
0xd: {  	[smem:$0x3FAF] =	sst s5  }
0xe: {  	[smem:$0x3FB0] =	sst s6  }
0xf: {  	[smem:$0x3FB1] =	sst s7  }
0x10: {  	[smem:$0x3FB2] =	sst s8  }
0x11: {  	[smem:$0x3FB3] =	sst s9;
	s0 =	simm.s32 @!p0 $0x0  }
0x12: {  	s1 =	sld [smem:$0x3F99];
	s0 =	simm.s32 @p0 $0x1  }
0x13: {  	[smem:$0x3FB4] =	sst s0;
	s0 =	simm.s32 @!p1 $0x0  }
0x14: {  	s2 =	sld [smem:$0x3F98];
	s0 =	simm.s32 @p1 $0x1  }
0x15: {  	[smem:$0x3FB5] =	sst s0;
	s0 =	simm.s32 @!p2 $0x0  }
0x16: {  	s3 =	sld [smem:$0x3FDB];
	s0 =	simm.s32 @p2 $0x1  }
0x17: {  	s4 =	simm.s32 $0x1BF5;
	[smem:$0x3FB7] =	sst s0  }
0x18: {  	s0 =	sld [smem:$0x3F9A];
	_ =	swait.ge [sflag:s4], $0x0  }
0x19: {  	s7 =	sld [smem:$0x3F9B]  }
0x1a: {  	s8 =	sadd.s32 $0xFFFFE003, lr  }
0x1b: {  	s9 =	sadd.s32 $0xFFFFFEF7, lr;
	s5 =	simm.s32 $0xFFFFFFFF;
	p2 =	slt.u32 s8, $0xFFFFF086  }
0x1c: {  	p1 =	slt.u32 s9, $0xF7A;
	s5 =	simm.s32 @!p2 $0x0  }
0x1d: {  	s5 =	simm.s32 @p1 $0x1;
	p0 =	seq.s32 s7, s2  }
0x1e: {  	s7 =	smul.u32 @!p0 $0xF7A, s2;
	p2 =	seq.s32 @!p0 s5, $0x0  }
0x1f: {  	s9 =	smul.u32 $0xF7A, s1;
	s8 =	simm.s32 @!p0 $0x1BF5;
	p2 =	por !p2, p0  }
0x20: {  	[sflag:s8] =	ssyncset.s32 @!p0 $0xFFFFF086;
	s6 =	sadd.s32 @!p0 s3, s7;
	s7 =	simm.s32 @!p0 $0x108  }
0x21: {  	s3 =	sadd.s32 s3, s9;
	s6 =	sadd.s32 @!p0 $0x88, s6;
	s7 =	simm.s32 @p2 $0x1082  }
0x22: {  	[simem:s7], [sflag:s8] =	dma.local @!p0 [hbm:s6], $0xF7A  }
0x23: {  	s9 =	sor.u32 $0xD0000000, s2;
	s6 =	simm.s32 $0x108;
	_ =	swait.ge @!p0 [sflag:s8], $0x0  }
0x24: {  	s3 =	sadd.s32 $0x88, s3;
	s6 =	simm.s32 @!p1 $0x1082;
	[sflag:s4] =	ssyncset.s32 $0xFFFFF086  }
0x25: {  	[simem:s6], [sflag:s4] =	dma.local [hbm:s3], $0xF7A  }
0x26: {  	[smem:$0x3F9B] =	sst s1;
	(tag) =	ssettag s2;
	_ =	strace s9  }
0x27: {  	s1 =	sld [smem:$0x3FAB]  }
0x28: {  	s2 =	sld [smem:$0x3FAC]  }
0x29: {  	s4 =	sld [smem:$0x3FAE]  }
0x2a: {  	p0 =	seq.s32 s5, $0x0;
	s5 =	sld [smem:$0x3FAF]  }
0x2b: {  	s6 =	sld [smem:$0x3FB0]  }
0x2c: {  	s7 =	sld [smem:$0x3FB1]  }
0x2d: {  	s3 =	simm.s32 $0x108;
	s8 =	sld [smem:$0x3FB2]  }
0x2e: {  	s3 =	simm.s32 @!p0 $0x1082;
	s9 =	sld [smem:$0x3FB3]  }
0x2f: {  	lr =	sadd.s32 s0, s3;
	s0 =	sld [smem:$0x3FAA]  }
0x30: {  	s3 =	sld [smem:$0x3FAD]  }
0x31: {  	[smem:$0x3FB6] =	sst s10  }
0x32: {  	s10 =	sld [smem:$0x3FB4];
	_ =	sdelay $0x3  }
0x33: {  	p0 =	seq.s32 s10, $0x1;
	s10 =	sld [smem:$0x3FB6];
	_ =	sdelay $0x3  }
0x34: {  	[smem:$0x3FB6] =	sst s10  }
0x35: {  	s10 =	sld [smem:$0x3FB5];
	_ =	sdelay $0x3  }
0x36: {  	p1 =	seq.s32 s10, $0x1;
	s10 =	sld [smem:$0x3FB6];
	_ =	sdelay $0x3  }
0x37: {  	[smem:$0x3FB6] =	sst s10  }
0x38: {  	s10 =	sld [smem:$0x3FB7]  }
0x39: {  	_ = 	snop;
	(pc) =	sbr.ind lr, $3  }
0x3a: {  	_ = 	snop  }
0x3b: {  	_ = 	snop  }
0x3c: {  	p2 =	seq.s32 s10, $0x1;
	s10 =	sld [smem:$0x3FB6]  }
0x3d: {  	_ =	shalt  }
0x3e: {  	_ =	shalt  }
0x3f: {  	_ =	shalt  }
0x40: {  	_ =	shalt  }
0x41: {  	_ =	shalt  }
0x42: {  	_ =	shalt  }
0x43: {  	_ =	shalt  }
0x44: {  	_ =	shalt  }
0x45: {  	_ =	shalt  }
0x46: {  	_ =	shalt  }
0x47: {  	_ =	shalt  }
0x48: {  	_ =	shalt  }
0x49: {  	_ =	shalt  }
0x4a: {  	_ =	shalt  }
0x4b: {  	_ =	shalt  }
0x4c: {  	_ =	shalt  }
0x4d: {  	_ =	shalt  }
0x4e: {  	_ =	shalt  }
0x4f: {  	_ =	shalt  }
0x50: {  	_ =	shalt  }
0x51: {  	_ =	shalt  }
0x52: {  	_ =	shalt  }
0x53: {  	_ =	shalt  }
0x54: {  	_ =	shalt  }
0x55: {  	_ =	shalt  }
0x56: {  	_ =	shalt  }
0x57: {  	_ =	shalt  }
0x58: {  	_ =	shalt  }
0x59: {  	_ =	shalt  }
0x5a: {  	_ =	shalt  }
0x5b: {  	_ =	shalt  }
0x5c: {  	_ =	shalt  }
0x5d: {  	_ =	shalt  }
0x5e: {  	_ =	shalt  }
0x5f: {  	_ =	shalt  }
0x60: {  	_ =	shalt  }
0x61: {  	_ =	shalt  }
0x62: {  	_ =	shalt  }
0x63: {  	_ =	shalt  }
0x64: {  	_ =	shalt  }
0x65: {  	_ =	shalt  }
0x66: {  	_ =	shalt  }
0x67: {  	_ =	shalt  }
0x68: {  	_ =	shalt  }
0x69: {  	_ =	shalt  }
0x6a: {  	_ =	shalt  }
0x6b: {  	_ =	shalt  }
0x6c: {  	_ =	shalt  }
0x6d: {  	_ =	shalt  }
0x6e: {  	_ =	shalt  }
0x6f: {  	_ =	shalt  }
0x70: {  	_ =	shalt  }
0x71: {  	_ =	shalt  }
0x72: {  	_ =	shalt  }
0x73: {  	_ =	shalt  }
0x74: {  	_ =	shalt  }
0x75: {  	_ =	shalt  }
0x76: {  	_ =	shalt  }
0x77: {  	_ =	shalt  }
0x78: {  	_ =	shalt  }
0x79: {  	_ =	shalt  }
0x7a: {  	_ =	shalt  }
0x7b: {  	_ =	shalt  }
0x7c: {  	_ =	shalt  }
0x7d: {  	_ =	shalt  }
0x7e: {  	_ =	shalt  }
0x7f: {  	_ =	shalt  }
0x80: {  	_ =	shalt  }
0x81: {  	_ =	shalt  }
0x82: {  	_ =	shalt  }
0x83: {  	_ =	shalt  }
0x84: {  	_ =	shalt  }
0x85: {  	_ =	shalt  }
0x86: {  	_ =	shalt  }
0x87: {  	_ =	shalt  }
.Lfunc_end0:
.L_simem_size_0:
called_computation_lowered:
.L_overlay_start_0:
0x88: {  	s0 =	sld [smem:$0x3FD9]  }
0x89: {  	s1 =	sld [smem:$0x3FFE];
	_ =	sdelay $0x3  }
0x8a: {  	s0 =	sadd.s32 s1, s0  }
0x8b: {  	[smem:$0x3FC2] =	sst s0  }
0x8c: {  	_ = 	snop  }
0x8d: {  	(tm) =	ssettm $0x1  }
0x8e: {  	s15 =	sld [smem:$0x3FFB];
	_ =	sdelay $0x3  }
0x8f: {  	_ =	strace s15  }
0x90: {  	s0 =	sld [smem:$0x3FFC];
	_ =	sdelay $0x3  }
0x91: {  	_ =	strace s0  }
0x92: {  	s0 =	sld [smem:$0x3FFD];
	_ =	sdelay $0x3  }
0x93: {  	_ =	strace s0  }
0x94: {  	_ =	strace $0x8FFFFFFF  }
0x95: {  	s16 =	sld [smem:$0x3FDB];
	_ =	sdelay $0x1  }
0x96: {  	s17 =	simm.s32 $_scs_section_size  }
0x97: {  	s2 =	simm.s32 $_size__tile_overlayer_lowered;
	s3 =	simm.s32 $_tile_overlayer_lowered  }
0x98: {  	s20 =	simm.s32 $0x1BFF;
	s19 =	sshll.u32 s3, $0x1;
	s0 =	sadd.s32 s17, s16  }
0x99: {  	s4 =	simm.s32 $0x0;
	s18 =	sshll.u32 s2, $0x1;
	s2 =	sadd.s32 s19, s0  }
0x9a: {  	[timem:s4], [sflag:s20] =	dma.local [hbm:s2], s18  }
0x9b: {  	_ =	swait.ge [sflag:s20], s18  }
0x9c: {  	s1 =	ssub.s32 $0x0, s18;
	[sflag:s20] =	ssyncset.done $0x0  }
0x9d: {  	[sflag:s20] =	ssyncadd.s32 s1;
	_ =	sdelay $0x1  }
0x9e: {  	s21 =	simm.s32 $0x1B8B  }
0x9f: {  	_ =	swait.ge [sflag:s21], $0x1  }
0xa0: {  	[sflag:s21] =	ssyncset.done $0x0  }
0xa1: {  	s23 =	simm.s32 $0x1B8E;
	s22 =	sld [smem:$0x3FFE];
	[sflag:s21] =	ssyncadd.s32 $0xFFFFFFFF  }
0xa2: {  	s24 =	simm.s32 $execute0_lowered;
	[smem:$0x3FD2] =	sst s23  }
0xa3: {  	s2 =	sshll.u32 s24, $0x1;
	_ =	strace $0x80000046;
	[dreg:$0x1] =	wrdreg $0xFFFFFFFF  }
0xa4: {  	s25 =	simm.s32 $_size_execute0_lowered;
	s0 =	sadd.s32 s0, s2;
	[dreg:$0x0] =	wrdreg $0x0  }
0xa5: {  	s2 =	sshll.u32 s25, $0x1;
	[dreg:$0x2] =	wrdreg s0  }
0xa6: {  	[dreg:$0x3] =	wrdreg s2  }
0xa7: {  	[dreg:$0x4] =	wrdreg $0xC0  }
0xa8: {  	_ =	task [dreg:s4], $0x5FFFF  }
0xa9: {  	[dreg:$0x1] =	wrdreg $0xFFFFFFFF  }
0xaa: {  	[dreg:$0x0] =	wrdreg $0x60  }
0xab: {  	[dreg:$0x2] =	wrdreg s22  }
0xac: {  	[dreg:$0x3] =	wrdreg $0x58000  }
0xad: {  	[dreg:$0x4] =	wrdreg $0x9  }
0xae: {  	_ =	task.clear_ibuf [dreg:s4], $0x5FFFF;
	_ =	strace $0x90000046  }
0xaf: {  	s26 =	simm.s32 $0x9;
	_ =	strace $0x80000048  }
0xb0: {  	_ =	swait.ge [sflag:s26], $0x1  }
0xb1: {  	[sflag:s26] =	ssyncadd.s32 $0xFFFFFFFF  }
0xb2: {  	_ =	strace $0x90000048  }
0xb3: {  	_ =	sfence  }
0xb4: {  	s28 =	sld [smem:$0x0];
	_ =	sdelay $0x1  }
0xb5: {  	s29 =	srdreg.scid  }
0xb6: {  	s30 =	sshll.u32 s29, $0xD;
	s31 =	sshrl.u32 s29, $0x2  }
0xb7: {  	s1 =	sand.u32 $0x1, s29;
	s2 =	sand.u32 $0x4000, s30;
	s0 =	sadd.s32 s31, s28  }
0xb8: {  	s1 =	sor.u32 s2, s1;
	s0 =	sshll.u32 s0, $0x11  }
0xb9: {  	s0 =	sor.u32 s0, s1  }
0xba: {  	s0 =	sadd.s32 $0x8F2B, s0  }
0xbb: {  	[sflag:s0] =	ssyncadd.remote.s32 $0x1  }
0xbc: {  	_ =	sfence.sel $0xFFFF  }
0xbd: {  	[dreg:$0x0] =	wrdreg $0xFFFFFFFF;
	(pc) =	sbr.abs _section_cstart, $3  }
0xbe: {  	[dreg:$0x1] =	wrdreg $0xFFFFFFFF  }
0xbf: {  	_ =	task.clear_ibuf [dreg:s4], $0x2FFFF;
	_ =	strace $0x9FFFFFFF  }
0xc0: {  	(tm) =	ssettm $0x7FFFFFFF  }
0xc1: {  	_ =	shalt  }
tec
execute0_lowered:
.L_overlay_start_1:
0x0: {  	(tag) =	ssettag $0x1  }
0x1: {  	s0 =	stileid.u32  }
0x2: {  	s6 =	rddreg [dreg:$0x0];
	s3 =	smul.u32 $0xA00, s0  }
0x3: {  	s2 =	rddreg [dreg:$0x1];
	s4 =	simm.s32 $0x0  }
0x4: {  	[smem:$0x7FF] =	sst s4;
	s3 =	sadd.s32 s3, s6  }
0x5: {  	s1 =	rddreg [dreg:$0x2];
	_ =	strace $0x80000047;
	s3 =	sadd.s32 $0x1A00, s3  }
0x6: {  	[tilespmem:s4], [sflag:$0x1] =	stream.linear.gather [hbm4b:s3+s4], $0x5000, $0x38;
	[tilespmem:$0x8000] =	vst v63  }
0x7: {  	s3 =	simm.s32 $0x1  }
0x8: {  	s5 =	smul.u32 $0xA000, s0;
	_ =	swait.ge [sflag:s3], $0x5000  }
0x9: {  	s7 =	sadd.s32 $0xBA00, s6;
	[sflag:s3] =	ssyncset.done $0x0  }
0xa: {  	s8 =	sshrl.u32 s5, $0x2;
	s5 =	simm.s32 $0x5000;
	[sflag:s3] =	ssyncadd.s32 $0xFFFFB000  }
0xb: {  	[tilespmem:s5], [sflag:$0x1] =	stream.linear.gather [hbm4b:s7+s4], $0x800, $0x38;
	[tilespmem:$0x8000] =	vst v63  }
0xc: {  	s25 =	sadd.s32 $0xBB00, s6;
	_ =	swait.ge [sflag:s3], $0x800  }
0xd: {  	s26 =	sshll.u32 s0, $0x6;
	s24 =	sadd.s32 s8, s2;
	[sflag:s3] =	ssyncset.done $0x0  }
0xe: {  	s9 =	sshrl.u32 s24, $0x3;
	s4 =	sor.u32 $0x1C01, s26;
	[sflag:s3] =	ssyncadd.s32 $0xFFFFF800  }
0xf: {  	[spmem:s9], [sflag:s4] =	dma.local [hbm:s25], $0x100  }
0x10: {  	_ =	swait.ge [sflag:s3], $0x100  }
0x11: {  	s28 =	sadd.s32 $0x800, s24;
	[sflag:s3] =	ssyncset.done $0x0  }
0x12: {  	s9 =	sshrl.u32 s28, $0x3;
	[sflag:s3] =	ssyncadd.s32 $0xFFFFFF00  }
0x13: {  	[spmem:s9], [sflag:s4] =	dma.local [hbm:s25], $0x100  }
0x14: {  	_ =	swait.ge [sflag:s3], $0x100  }
0x15: {  	s29 =	sadd.s32 $0x1000, s24;
	[sflag:s3] =	ssyncset.done $0x0  }
0x16: {  	s9 =	sshrl.u32 s29, $0x3;
	[sflag:s3] =	ssyncadd.s32 $0xFFFFFF00  }
0x17: {  	[spmem:s9], [sflag:s4] =	dma.local [hbm:s25], $0x100  }
0x18: {  	_ =	swait.ge [sflag:s3], $0x100  }
0x19: {  	s30 =	sadd.s32 $0x1800, s24;
	[sflag:s3] =	ssyncset.done $0x0  }
0x1a: {  	s9 =	sshrl.u32 s30, $0x3;
	[sflag:s3] =	ssyncadd.s32 $0xFFFFFF00  }
0x1b: {  	[spmem:s9], [sflag:s4] =	dma.local [hbm:s25], $0x100  }
0x1c: {  	_ =	swait.ge [sflag:s3], $0x100  }
0x1d: {  	s7 =	sadd.s32 $0x2000, s24;
	[sflag:s3] =	ssyncset.done $0x0  }
0x1e: {  	s7 =	sshrl.u32 s7, $0x3;
	[sflag:s3] =	ssyncadd.s32 $0xFFFFFF00  }
0x1f: {  	[spmem:s7], [sflag:s4] =	dma.local [hbm:s25], $0x100  }
0x20: {  	_ =	swait.ge [sflag:s3], $0x100  }
0x21: {  	[sflag:s3] =	ssyncset.done $0x0  }
0x22: {  	[sflag:s3] =	ssyncadd.s32 $0xFFFFFF00  }
0x23: {  	s31 =	simm.s32 $0x0;
	s7 =	simm.s32 $0x80;
	[bflag:$0x0] =	sbarrier.arrive $0xFFFF  }
0x24: {  	[spmem:s2] =	stream.indirect.scatter.add.f32 [tilespmem:s5], [sflag:$0x1], $0x10, s31, s7, $0xb8;
	[tilespmem:$0x8000] =	vst v63  }
0x25: {  	_ =	swait.ge [sflag:s3], $0x800  }
0x26: {  	s6 =	sadd.s32 $0xBC00, s6;
	s8 =	simm.s32 $0x200;
	[sflag:s3] =	ssyncset.done $0x0  }
.LBB2_1:
0x27: {  	s9 =	sshra.s32 s8, $0x2;
	[sflag:s3] =	ssyncadd.s32 $0xFFFFF800;
	p0 =	sne.s32 s8, $0x13E00  }
0x28: {  	[spmem:s2] =	stream.indirect.scatter.add.f32 [tilespmem:s5], [sflag:$0x1], $0x10, s9, s7, $0xb8;
	[tilespmem:$0x8000] =	vst v63  }
.Ltmp0:
0x29: {  	_ = 	snop;
	(pc) =	sbr.rel @p0 .LBB2_1-.Ltmp0, $4  }
0x2a: {  	_ = 	snop  }
0x2b: {  	s8 =	sadd.s32 $0x200, s8  }
0x2c: {  	_ =	swait.ge [sflag:s3], $0x800  }
0x2d: {  	[sflag:s3] =	ssyncset.done $0x0  }
0x2e: {  	s5 =	smul.u32 $0x2800, s0  }
0x2f: {  	[sflag:s3] =	ssyncadd.s32 $0xFFFFF800  }
0x30: {  	s31 =	simm.s32 $0x1;
	s30 =	sshrl.u32 s5, $0x3;
	s2 =	sadd.s32 s5, s2  }
0x31: {  	[bflag:$0x0] =	sbarrier.arrive $0xFFFF;
	s3 =	sadd.s32 s6, s30;
	s2 =	sshrl.u32 s2, $0x3  }
0x32: {  	[hbm:s3], [sflag:s4] =	dma.local [spmem:s2], $0x500  }
0x33: {  	_ =	swait.ge [sflag:s31], $0x500  }
0x34: {  	[sflag:s31] =	ssyncset.done $0x0  }
0x35: {  	[sflag:s31] =	ssyncadd.s32 $0xFFFFFB00  }
0x36: {  	_ =	sfence.sel $0x180000  }
0x37: {  	[bflag:$0x0] =	sbarrier.arrive $0xFFFF  }
0x38: {  	p0 =	sne.s32 s0, $0x0;
	_ =	strace $0x90000047  }
0x39: {  	s0 =	sadd.s32 @!p0 $0x100000, s1;
	[bflag:$0x2] =	sbarrier.arrive $0xFFFF  }
0x3a: {  	[sflag:s0] =	ssyncadd.tile.s32 @!p0 $0x1;
	_ =	shalt  }
.Lfunc_end2:
_tile_overlayer_lowered:
.L_overlay_start_2:
0x3b: {  	(tag) =	ssettag $0x2  }
0x3c: {  	s0 =	rddreg [dreg:$0x0];
	s2 =	stileid.u32  }
0x3d: {  	s1 =	rddreg [dreg:$0x1];
	p0 =	sne.s32 s2, $0x0  }
0x3e: {  	s3 =	rddreg [dreg:$0x2];
	[bflag:$0x3] =	sbarrier.arrive $0xFFFF;
	s2 =	simm.s32 @!p0 $0x1C01  }
0x3f: {  	[timem:s3], [sflag:s2] =	dma.local @!p0 [hbm:s0], s1  }
0x40: {  	s0 =	simm.s32 @!p0 $0x1  }
0x41: {  	_ =	swait.ge @!p0 [sflag:s0], s1  }
0x42: {  	s1 =	ssub.s32 @!p0 $0x0, s1;
	[sflag:s0] =	ssyncset.done @!p0 $0x0  }
0x43: {  	[sflag:s0] =	ssyncadd.s32 @!p0 s1  }
0x44: {  	[bflag:$0x3] =	sbarrier.arrive $0xFFFF  }
0x45: {  	_ =	shalt  }

</sc_bundles>
